<compile_context>
chip_gen: v7x
topology: tpu7x:2x2x1
jax: 0.10.2.dev20260603
libtpu: 0.0.44.dev20260713+nightly
codegen_flags: <defaults>
</compile_context>

<pallas_src>
import jax
import jax.numpy as jnp
from jax.experimental import pallas as pl

_B, _Q, _NT, _NC = 64, 300, 20, 1203
_W_CLASS, _W_BBOX, _W_GIOU = 1.0, 5.0, 2.0
_AUXW = 32


def _fused_kernel(x_ref, pb_ref, tbt_ref, tl_ref, cost_ref, l1_ref, aux_ref):
    x = x_ref[0]
    pb = pb_ref[0]
    tbt = tbt_ref[0]
    tl = tl_ref[0]

    m = jnp.max(x, axis=-1, keepdims=True)
    s = jnp.sum(jnp.exp(x - m), axis=-1, keepdims=True)
    lse = m + jnp.log(s)
    cls_iota = jax.lax.broadcasted_iota(jnp.int32, (_Q, _NC), 1)
    is_noobj = cls_iota == (_NC - 1)
    noobj = jnp.sum(jnp.where(is_noobj, x, 0.0), axis=-1, keepdims=True)
    maxfg = jnp.max(jnp.where(is_noobj, -jnp.inf, x), axis=-1, keepdims=True)
    flag = (maxfg >= noobj).astype(jnp.float32)

    oh_iota = jax.lax.broadcasted_iota(jnp.int32, (_NC, _NT), 0)
    onehot = (oh_iota == tl).astype(jnp.float32)
    g = jnp.dot(x, onehot, precision=jax.lax.Precision.HIGHEST,
                preferred_element_type=jnp.float32)
    cost_class = -jnp.exp(g - lse)

    pcx, pcy, pw, ph = (pb[:, 0:1], pb[:, 1:2], pb[:, 2:3], pb[:, 3:4])
    tcx, tcy, tw, th = (tbt[0:1, :], tbt[1:2, :], tbt[2:3, :], tbt[3:4, :])
    l1 = (jnp.abs(pcx - tcx) + jnp.abs(pcy - tcy)
          + jnp.abs(pw - tw) + jnp.abs(ph - th))

    px0, px1 = pcx - 0.5 * pw, pcx + 0.5 * pw
    py0, py1 = pcy - 0.5 * ph, pcy + 0.5 * ph
    tx0, tx1 = tcx - 0.5 * tw, tcx + 0.5 * tw
    ty0, ty1 = tcy - 0.5 * th, tcy + 0.5 * th
    area_p = (px1 - px0) * (py1 - py0)
    area_t = (tx1 - tx0) * (ty1 - ty0)
    iw = jnp.maximum(jnp.minimum(px1, tx1) - jnp.maximum(px0, tx0), 0.0)
    ih = jnp.maximum(jnp.minimum(py1, ty1) - jnp.maximum(py0, ty0), 0.0)
    inter = iw * ih
    union = area_p + area_t - inter
    iou = inter / union
    ew = jnp.maximum(px1, tx1) - jnp.minimum(px0, tx0)
    eh = jnp.maximum(py1, ty1) - jnp.minimum(py0, ty0)
    earea = ew * eh
    giou = iou - (earea - union) / earea

    cost_ref[0] = _W_BBOX * l1 + _W_CLASS * cost_class - _W_GIOU * giou
    l1_ref[0] = l1
    aux_ref[0] = jnp.concatenate(
        [g, lse, noobj, flag, jnp.zeros((_Q, _AUXW - _NT - 3), jnp.float32)],
        axis=-1)


def _jv_assign(cost):
    n, m = cost.shape
    inf = jnp.asarray(1e18, dtype=cost.dtype)

    def row_body(i, state):
        u, v, p, way = state
        p = p.at[0].set(i.astype(jnp.int32))
        j0 = jnp.int32(0)
        minv = jnp.full(m + 1, inf, dtype=cost.dtype)
        used = jnp.zeros(m + 1, dtype=bool)

        def cond(c):
            j0, minv, used, u, v, way = c
            return p[j0] != 0

        def body(c):
            j0, minv, used, u, v, way = c
            used = used.at[j0].set(True)
            i0 = p[j0]
            cur = cost[i0 - 1, :] - u[i0] - v[1:]
            mask = ~used[1:]
            better = mask & (cur < minv[1:])
            minv = minv.at[1:].set(jnp.where(better, cur, minv[1:]))
            way = way.at[1:].set(jnp.where(better, j0, way[1:]))
            masked = jnp.where(mask, minv[1:], inf)
            j1 = jnp.argmin(masked).astype(jnp.int32) + 1
            delta = minv[j1]
            zero = jnp.asarray(0.0, dtype=cost.dtype)
            u = u.at[p].add(jnp.where(used, delta, zero))
            v = v - jnp.where(used, delta, zero)
            fm = (~used).at[0].set(False)
            minv = minv - jnp.where(fm, delta, zero)
            return (j1, minv, used, u, v, way)

        j0, minv, used, u, v, way = jax.lax.while_loop(
            cond, body, (j0, minv, used, u, v, way))

        def cond2(c):
            j0, p = c
            return j0 != 0

        def body2(c):
            j0, p = c
            j1 = way[j0]
            p = p.at[j0].set(p[j1])
            return (j1, p)

        _, p = jax.lax.while_loop(cond2, body2, (j0, p))
        return (u, v, p, way)

    u0 = jnp.zeros(n + 1, dtype=cost.dtype)
    v0 = jnp.zeros(m + 1, dtype=cost.dtype)
    p0 = jnp.zeros(m + 1, dtype=jnp.int32)
    way0 = jnp.zeros(m + 1, dtype=jnp.int32)
    u, v, p, way = jax.lax.fori_loop(1, n + 1, row_body, (u0, v0, p0, way0))
    cols = jnp.zeros(n, dtype=jnp.int32).at[
        jnp.where(p[1:] > 0, p[1:] - 1, n)].set(
        jnp.arange(m, dtype=jnp.int32), mode='drop')
    return cols


def kernel(pred_logits, pred_boxes, tgt_labels, tgt_boxes):
    tbt = tgt_boxes.astype(jnp.float32).transpose(0, 2, 1)
    tl3 = tgt_labels.astype(jnp.int32).reshape(_B, 1, _NT)

    cost, l1, aux = pl.pallas_call(
        _fused_kernel,
        grid=(_B,),
        in_specs=[
            pl.BlockSpec((1, _Q, _NC), lambda b: (b, 0, 0)),
            pl.BlockSpec((1, _Q, 4), lambda b: (b, 0, 0)),
            pl.BlockSpec((1, 4, _NT), lambda b: (b, 0, 0)),
            pl.BlockSpec((1, 1, _NT), lambda b: (b, 0, 0)),
        ],
        out_specs=[
            pl.BlockSpec((1, _Q, _NT), lambda b: (b, 0, 0)),
            pl.BlockSpec((1, _Q, _NT), lambda b: (b, 0, 0)),
            pl.BlockSpec((1, _Q, _AUXW), lambda b: (b, 0, 0)),
        ],
        out_shape=[
            jax.ShapeDtypeStruct((_B, _Q, _NT), jnp.float32),
            jax.ShapeDtypeStruct((_B, _Q, _NT), jnp.float32),
            jax.ShapeDtypeStruct((_B, _Q, _AUXW), jnp.float32),
        ],
    )(pred_logits.astype(jnp.float32), pred_boxes.astype(jnp.float32),
      tbt, tl3)

    g = aux[:, :, :_NT]
    lse = aux[:, :, _NT]
    noobj = aux[:, :, _NT + 1]
    flag = aux[:, :, _NT + 2]

    src = jax.vmap(_jv_assign)(cost.transpose(0, 2, 1))

    bidx = jnp.arange(_B, dtype=jnp.int32)[:, None]
    jidx = jnp.arange(_NT, dtype=jnp.int32)[None, :]
    g_m = g[bidx, src, jidx]
    noobj_m = noobj[bidx, src]
    l1_m = l1[bidx, src, jidx]

    loss_labels = (jnp.sum(lse) - jnp.sum(noobj)
                   - jnp.sum(g_m - noobj_m)) / (_B * _Q)
    loss_boxes = jnp.sum(l1_m) / (_B * _NT)
    card_err = jnp.mean(jnp.abs(jnp.sum(flag, axis=1) - float(_NT)))
    return loss_labels * 2.0 + loss_boxes + card_err

# --- scband reference (transcript-rebuilt; emitter-appended) ---
"""Pipeline reference for scband-set-criterion-31301721653250 (READ-ONLY COPY).

The authoritative reference and input builder live on the scoring server;
editing this copy changes nothing except your own understanding.
"""

import jax, jax.numpy as jnp
import numpy as np

B, Q, NT, NUM_CLASSES = 64, 300, 20, 1203
COST_CLASS, COST_BBOX, COST_GIOU = 1.0, 5.0, 2.0


def box_cxcywh_to_xyxy(b):
    cx, cy, w, h = b[..., 0], b[..., 1], b[..., 2], b[..., 3]
    return jnp.stack([cx - 0.5 * w, cy - 0.5 * h, cx + 0.5 * w, cy + 0.5 * h], axis=-1)


def generalized_box_iou(b1, b2):
    area1 = (b1[:, 2] - b1[:, 0]) * (b1[:, 3] - b1[:, 1])
    area2 = (b2[:, 2] - b2[:, 0]) * (b2[:, 3] - b2[:, 1])
    lt = jnp.maximum(b1[:, None, :2], b2[None, :, :2])
    rb = jnp.minimum(b1[:, None, 2:], b2[None, :, 2:])
    wh = jnp.maximum(rb - lt, 0.0)
    inter = wh[..., 0] * wh[..., 1]
    union = area1[:, None] + area2[None, :] - inter
    iou = inter / union
    lt2 = jnp.minimum(b1[:, None, :2], b2[None, :, :2])
    rb2 = jnp.maximum(b1[:, None, 2:], b2[None, :, 2:])
    wh2 = jnp.maximum(rb2 - lt2, 0.0)
    area = wh2[..., 0] * wh2[..., 1]
    return iou - (area - union) / area


def _lsa(cost):
    # Jonker-Volgenant shortest augmenting path (matches scipy.optimize.linear_sum_assignment)
    transposed = False
    if cost.shape[0] > cost.shape[1]:
        cost = cost.T
        transposed = True
    n, m = cost.shape
    INF = jnp.asarray(1e18, dtype=cost.dtype)

    def row_body(i, state):
        u, v, p, way = state
        p = p.at[0].set(i.astype(jnp.int32))
        j0 = jnp.int32(0)
        minv = jnp.full(m + 1, INF, dtype=cost.dtype)
        used = jnp.zeros(m + 1, dtype=bool)

        def cond(c):
            j0, minv, used, u, v, way = c
            return p[j0] != 0

        def body(c):
            j0, minv, used, u, v, way = c
            used = used.at[j0].set(True)
            i0 = p[j0]
            cur = cost[i0 - 1, :] - u[i0] - v[1:]
            mask = ~used[1:]
            better = mask & (cur < minv[1:])
            minv = minv.at[1:].set(jnp.where(better, cur, minv[1:]))
            way = way.at[1:].set(jnp.where(better, j0, way[1:]))
            masked = jnp.where(mask, minv[1:], INF)
            j1 = jnp.argmin(masked).astype(jnp.int32) + 1
            delta = minv[j1]
            zero = jnp.asarray(0.0, dtype=cost.dtype)
            u = u.at[p].add(jnp.where(used, delta, zero))
            v = v - jnp.where(used, delta, zero)
            fm = (~used).at[0].set(False)
            minv = minv - jnp.where(fm, delta, zero)
            return (j1, minv, used, u, v, way)

        j0, minv, used, u, v, way = jax.lax.while_loop(cond, body, (j0, minv, used, u, v, way))

        def cond2(c):
            j0, p = c
            return j0 != 0

        def body2(c):
            j0, p = c
            j1 = way[j0]
            p = p.at[j0].set(p[j1])
            return (j1, p)

        _, p = jax.lax.while_loop(cond2, body2, (j0, p))
        return (u, v, p, way)

    u0 = jnp.zeros(n + 1, dtype=cost.dtype)
    v0 = jnp.zeros(m + 1, dtype=cost.dtype)
    p0 = jnp.zeros(m + 1, dtype=jnp.int32)
    way0 = jnp.zeros(m + 1, dtype=jnp.int32)
    u, v, p, way = jax.lax.fori_loop(1, n + 1, row_body, (u0, v0, p0, way0))
    cols = jnp.zeros(n, dtype=jnp.int32).at[jnp.where(p[1:] > 0, p[1:] - 1, n)].set(
        jnp.arange(m, dtype=jnp.int32), mode='drop')
    rows = jnp.arange(n, dtype=jnp.int32)
    if transposed:
        order = jnp.argsort(cols)
        return cols[order], rows[order]
    return rows, cols


def hungarian_match(pred_logits, pred_boxes, tgt_labels, tgt_boxes):
    def per_batch(logits, pb, tl, tb):
        ex = jnp.exp(logits - logits.max(axis=-1, keepdims=True))
        prob = ex / ex.sum(axis=-1, keepdims=True)
        cost_class = -prob[:, tl]
        cost_bbox = jnp.abs(pb[:, None, :] - tb[None, :, :]).sum(-1)
        giou = generalized_box_iou(box_cxcywh_to_xyxy(pb), box_cxcywh_to_xyxy(tb))
        C = COST_BBOX * cost_bbox + COST_CLASS * cost_class - COST_GIOU * giou
        return _lsa(C)

    src, tgt = jax.vmap(per_batch)(pred_logits, pred_boxes, tgt_labels, tgt_boxes)
    bsz, per = src.shape
    batch_idx = jnp.repeat(jnp.arange(bsz, dtype=jnp.int32), per)
    src_idx = src.reshape(-1)
    tgt_idx = tgt.reshape(-1)
    return batch_idx, src_idx, tgt_idx


def setup_inputs(seed: int = 0) -> dict:
    key = jax.random.key(seed)
    k1, k2, k3, k4 = jax.random.split(key, 4)
    pred_logits = jax.random.normal(k1, (B, Q, NUM_CLASSES), dtype=jnp.float32)
    pred_boxes = jax.random.uniform(k2, (B, Q, 4), dtype=jnp.float32)
    tgt_labels = jax.random.randint(k3, (B, NT), 0, 1202)
    tgt_boxes = jax.random.uniform(k4, (B, NT, 4), dtype=jnp.float32)
    return {"pred_logits": pred_logits, "pred_boxes": pred_boxes, "tgt_labels": tgt_labels, "tgt_boxes": tgt_boxes}


def reference(pred_logits, pred_boxes, tgt_labels, tgt_boxes):
    bi, si, ti = hungarian_match(pred_logits, pred_boxes, tgt_labels, tgt_boxes)
    num_boxes = B * NT
    # loss_labels: cross entropy over all queries, unmatched -> no-object class (num_classes - 1)
    target_classes_o = tgt_labels[bi, ti]
    target_classes = jnp.full((B, Q), NUM_CLASSES - 1, dtype=jnp.int32)
    target_classes = target_classes.at[bi, si].set(target_classes_o.astype(jnp.int32))
    logp = jax.nn.log_softmax(pred_logits, axis=-1)
    nll = -jnp.take_along_axis(logp, target_classes[..., None].astype(jnp.int32), axis=-1)[..., 0]
    loss_labels = nll.mean()
    # loss_boxes: L1 between matched pred boxes and target boxes
    src_boxes = pred_boxes[bi, si]
    target_boxes = tgt_boxes[bi, ti]
    loss_boxes = jnp.abs(src_boxes - target_boxes).sum() / num_boxes
    # loss_cardinality
    card_pred = (jnp.argmax(pred_logits, axis=-1) != pred_logits.shape[-1] - 1).sum(axis=1)
    tgt_lengths = jnp.full((B,), NT)
    card_err = jnp.abs(card_pred.astype(jnp.float32) - tgt_lengths.astype(jnp.float32)).mean()
    return loss_labels * 2.0 + loss_boxes * 1.0 + card_err * 1.0


if False:  # reference __main__ guard neutralized (emitter)
    out = reference(**setup_inputs())
    print(out)

if __name__ == "__main__":
    import jax
    _d = setup_inputs()
    print(jax.jit(kernel)(*tuple(_d.values())))

</pallas_src>

<mosaic_0001>
module attributes {stable_mosaic.version = 14 : i64} {
  func.func @_fused_kernel(%arg0: i32, %arg1: memref<1x300x1203xf32, #tpu.memory_space<vmem>>, %arg2: memref<1x300x4xf32, #tpu.memory_space<vmem>>, %arg3: memref<1x4x20xf32, #tpu.memory_space<vmem>>, %arg4: memref<1x1x20xi32, #tpu.memory_space<vmem>>, %arg5: memref<1x300x20xf32, #tpu.memory_space<vmem>>, %arg6: memref<1x300x20xf32, #tpu.memory_space<vmem>>, %arg7: memref<1x300x32xf32, #tpu.memory_space<vmem>>) attributes {dimension_semantics = [#tpu.dimension_semantics<arbitrary>], iteration_bounds = array<i64: 64>, scalar_prefetch = 0 : i64, scratch_operands = 0 : i64, tpu.core_type = #tpu.core_type<tc>, window_params = [{transform_indices = @transform_0, window_bounds = array<i64: 1, 300, 1203>}, {transform_indices = @transform_1, window_bounds = array<i64: 1, 300, 4>}, {transform_indices = @transform_2, window_bounds = array<i64: 1, 4, 20>}, {transform_indices = @transform_3, window_bounds = array<i64: 1, 1, 20>}, {transform_indices = @transform_4, window_bounds = array<i64: 1, 300, 20>}, {transform_indices = @transform_5, window_bounds = array<i64: 1, 300, 20>}, {transform_indices = @transform_6, window_bounds = array<i64: 1, 300, 32>}]} {
    %get3A = arith.constant 0 : index
    %get3A_0 = arith.constant 0 : index
    %get3A_1 = arith.constant 0 : index
    %get3A_2 = vector.load %arg1[%get3A, %get3A_0, %get3A_1] : memref<1x300x1203xf32, #tpu.memory_space<vmem>>, vector<1x300x1203xf32>
    %get3A_3 = vector.shape_cast %get3A_2 : vector<1x300x1203xf32> to vector<300x1203xf32>
    %get3A_4 = arith.constant 0 : index
    %get3A_5 = arith.constant 0 : index
    %get3A_6 = arith.constant 0 : index
    %get3A_7 = vector.load %arg2[%get3A_4, %get3A_5, %get3A_6] : memref<1x300x4xf32, #tpu.memory_space<vmem>>, vector<1x300x4xf32>
    %get3A_8 = vector.shape_cast %get3A_7 : vector<1x300x4xf32> to vector<300x4xf32>
    %get3A_9 = arith.constant 0 : index
    %get3A_10 = arith.constant 0 : index
    %get3A_11 = arith.constant 0 : index
    %get3A_12 = vector.load %arg3[%get3A_9, %get3A_10, %get3A_11] : memref<1x4x20xf32, #tpu.memory_space<vmem>>, vector<1x4x20xf32>
    %get3A_13 = vector.shape_cast %get3A_12 : vector<1x4x20xf32> to vector<4x20xf32>
    %get3A_14 = arith.constant 0 : index
    %get3A_15 = arith.constant 0 : index
    %get3A_16 = arith.constant 0 : index
    %get3A_17 = vector.load %arg4[%get3A_14, %get3A_15, %get3A_16] : memref<1x1x20xi32, #tpu.memory_space<vmem>>, vector<1x1x20xi32>
    %get3A_18 = vector.shape_cast %get3A_17 : vector<1x1x20xi32> to vector<1x20xi32>
    %reduce_max3A = arith.constant dense<0xFF800000> : vector<300xf32>
    %reduce_max3A_19 = vector.multi_reduction <maximumf>, %get3A_3, %reduce_max3A [1] : vector<300x1203xf32> to vector<300xf32>
    %broadcast_in_dim3A = vector.shape_cast %reduce_max3A_19 : vector<300xf32> to vector<300x1xf32>
    %sub3A = vector.broadcast %broadcast_in_dim3A : vector<300x1xf32> to vector<300x1203xf32>
    %sub3A_20 = arith.subf %get3A_3, %sub3A : vector<300x1203xf32>
    %exp3A = math.exp %sub3A_20 : vector<300x1203xf32>
    %reduce_sum3A = arith.constant dense<0.000000e+00> : vector<300xf32>
    %reduce_sum3A_21 = vector.multi_reduction <add>, %exp3A, %reduce_sum3A [1] : vector<300x1203xf32> to vector<300xf32>
    %broadcast_in_dim3A_22 = vector.shape_cast %reduce_sum3A_21 : vector<300xf32> to vector<300x1xf32>
    %log3A = math.log %broadcast_in_dim3A_22 : vector<300x1xf32>
    %add3A = arith.addf %broadcast_in_dim3A, %log3A : vector<300x1xf32>
    %iota3A = tpu.iota {dimensions = array<i32: 1>} : vector<300x1203xi32>
    %eq3A = arith.constant 1202 : i32
    %eq3A_23 = vector.broadcast %eq3A : i32 to vector<300x1203xi32>
    %eq3A_24 = arith.cmpi eq, %iota3A, %eq3A_23 : vector<300x1203xi32>
    %jit3A = arith.constant 0.000000e+00 : f32
    %broadcast_in_dim3A_25 = vector.broadcast %jit3A : f32 to vector<300x1203xf32>
    %select_n3A = arith.select %eq3A_24, %get3A_3, %broadcast_in_dim3A_25 : vector<300x1203xi1>, vector<300x1203xf32>
    %reduce_sum3A_26 = arith.constant dense<0.000000e+00> : vector<300xf32>
    %reduce_sum3A_27 = vector.multi_reduction <add>, %select_n3A, %reduce_sum3A_26 [1] : vector<300x1203xf32> to vector<300xf32>
    %broadcast_in_dim3A_28 = vector.shape_cast %reduce_sum3A_27 : vector<300xf32> to vector<300x1xf32>
    %jit3A_29 = arith.constant 0xFF800000 : f32
    %broadcast_in_dim3A_30 = vector.broadcast %jit3A_29 : f32 to vector<300x1203xf32>
    %select_n3A_31 = arith.select %eq3A_24, %broadcast_in_dim3A_30, %get3A_3 : vector<300x1203xi1>, vector<300x1203xf32>
    %reduce_max3A_32 = arith.constant dense<0xFF800000> : vector<300xf32>
    %reduce_max3A_33 = vector.multi_reduction <maximumf>, %select_n3A_31, %reduce_max3A_32 [1] : vector<300x1203xf32> to vector<300xf32>
    %broadcast_in_dim3A_34 = vector.shape_cast %reduce_max3A_33 : vector<300xf32> to vector<300x1xf32>
    %ge3A = arith.cmpf oge, %broadcast_in_dim3A_34, %broadcast_in_dim3A_28 : vector<300x1xf32>
    %convert_element_type3A = arith.extui %ge3A : vector<300x1xi1> to vector<300x1xi32>
    %convert_element_type3A_35 = arith.sitofp %convert_element_type3A : vector<300x1xi32> to vector<300x1xf32>
    %iota3A_36 = tpu.iota {dimensions = array<i32: 0>} : vector<1203x20xi32>
    %eq3A_37 = vector.broadcast %get3A_18 : vector<1x20xi32> to vector<1203x20xi32>
    %eq3A_38 = arith.cmpi eq, %iota3A_36, %eq3A_37 : vector<1203x20xi32>
    %convert_element_type3A_39 = arith.extui %eq3A_38 : vector<1203x20xi1> to vector<1203x20xi32>
    %convert_element_type3A_40 = arith.sitofp %convert_element_type3A_39 : vector<1203x20xi32> to vector<1203x20xf32>
    %dot_general3A = arith.constant dense<0.000000e+00> : vector<300x20xf32>
    %dot_general3A_41 = tpu.matmul %get3A_3, %convert_element_type3A_40, %dot_general3A {dimension_numbers = #tpu.dot_dimension_numbers<[1], [0], [0], [1], [0, 0, 1, 1], [], []>, precision = #tpu.contract_precision<fp32>, transpose_lhs_hint = false} : vector<300x1203xf32>, vector<1203x20xf32>, vector<300x20xf32> -> vector<300x20xf32>
    %sub3A_42 = vector.broadcast %add3A : vector<300x1xf32> to vector<300x20xf32>
    %sub3A_43 = arith.subf %dot_general3A_41, %sub3A_42 : vector<300x20xf32>
    %exp3A_44 = math.exp %sub3A_43 : vector<300x20xf32>
    %neg3A = arith.constant 0.000000e+00 : f32
    %neg3A_45 = vector.broadcast %neg3A : f32 to vector<300x20xf32>
    %neg3A_46 = arith.subf %neg3A_45, %exp3A_44 : vector<300x20xf32>
    %slice3A = vector.extract_strided_slice %get3A_8 {offsets = [0, 0], sizes = [300, 1], strides = [1, 1]} : vector<300x4xf32> to vector<300x1xf32>
    %slice3A_47 = vector.extract_strided_slice %get3A_8 {offsets = [0, 1], sizes = [300, 1], strides = [1, 1]} : vector<300x4xf32> to vector<300x1xf32>
    %slice3A_48 = vector.extract_strided_slice %get3A_8 {offsets = [0, 2], sizes = [300, 1], strides = [1, 1]} : vector<300x4xf32> to vector<300x1xf32>
    %slice3A_49 = vector.extract_strided_slice %get3A_8 {offsets = [0, 3], sizes = [300, 1], strides = [1, 1]} : vector<300x4xf32> to vector<300x1xf32>
    %slice3A_50 = vector.extract_strided_slice %get3A_13 {offsets = [0, 0], sizes = [1, 20], strides = [1, 1]} : vector<4x20xf32> to vector<1x20xf32>
    %slice3A_51 = vector.extract_strided_slice %get3A_13 {offsets = [1, 0], sizes = [1, 20], strides = [1, 1]} : vector<4x20xf32> to vector<1x20xf32>
    %slice3A_52 = vector.extract_strided_slice %get3A_13 {offsets = [2, 0], sizes = [1, 20], strides = [1, 1]} : vector<4x20xf32> to vector<1x20xf32>
    %slice3A_53 = vector.extract_strided_slice %get3A_13 {offsets = [3, 0], sizes = [1, 20], strides = [1, 1]} : vector<4x20xf32> to vector<1x20xf32>
    %sub3A_54 = vector.broadcast %slice3A : vector<300x1xf32> to vector<300x20xf32>
    %sub3A_55 = vector.broadcast %slice3A_50 : vector<1x20xf32> to vector<300x20xf32>
    %sub3A_56 = arith.subf %sub3A_54, %sub3A_55 : vector<300x20xf32>
    %abs3A = math.absf %sub3A_56 : vector<300x20xf32>
    %sub3A_57 = vector.broadcast %slice3A_47 : vector<300x1xf32> to vector<300x20xf32>
    %sub3A_58 = vector.broadcast %slice3A_51 : vector<1x20xf32> to vector<300x20xf32>
    %sub3A_59 = arith.subf %sub3A_57, %sub3A_58 : vector<300x20xf32>
    %abs3A_60 = math.absf %sub3A_59 : vector<300x20xf32>
    %add3A_61 = arith.addf %abs3A, %abs3A_60 : vector<300x20xf32>
    %sub3A_62 = vector.broadcast %slice3A_48 : vector<300x1xf32> to vector<300x20xf32>
    %sub3A_63 = vector.broadcast %slice3A_52 : vector<1x20xf32> to vector<300x20xf32>
    %sub3A_64 = arith.subf %sub3A_62, %sub3A_63 : vector<300x20xf32>
    %abs3A_65 = math.absf %sub3A_64 : vector<300x20xf32>
    %add3A_66 = arith.addf %add3A_61, %abs3A_65 : vector<300x20xf32>
    %sub3A_67 = vector.broadcast %slice3A_49 : vector<300x1xf32> to vector<300x20xf32>
    %sub3A_68 = vector.broadcast %slice3A_53 : vector<1x20xf32> to vector<300x20xf32>
    %sub3A_69 = arith.subf %sub3A_67, %sub3A_68 : vector<300x20xf32>
    %abs3A_70 = math.absf %sub3A_69 : vector<300x20xf32>
    %add3A_71 = arith.addf %add3A_66, %abs3A_70 : vector<300x20xf32>
    %mul3A = arith.constant 5.000000e-01 : f32
    %mul3A_72 = vector.broadcast %mul3A : f32 to vector<300x1xf32>
    %mul3A_73 = arith.mulf %mul3A_72, %slice3A_48 : vector<300x1xf32>
    %sub3A_74 = arith.subf %slice3A, %mul3A_73 : vector<300x1xf32>
    %mul3A_75 = arith.constant 5.000000e-01 : f32
    %mul3A_76 = vector.broadcast %mul3A_75 : f32 to vector<300x1xf32>
    %mul3A_77 = arith.mulf %mul3A_76, %slice3A_48 : vector<300x1xf32>
    %add3A_78 = arith.addf %slice3A, %mul3A_77 : vector<300x1xf32>
    %mul3A_79 = arith.constant 5.000000e-01 : f32
    %mul3A_80 = vector.broadcast %mul3A_79 : f32 to vector<300x1xf32>
    %mul3A_81 = arith.mulf %mul3A_80, %slice3A_49 : vector<300x1xf32>
    %sub3A_82 = arith.subf %slice3A_47, %mul3A_81 : vector<300x1xf32>
    %mul3A_83 = arith.constant 5.000000e-01 : f32
    %mul3A_84 = vector.broadcast %mul3A_83 : f32 to vector<300x1xf32>
    %mul3A_85 = arith.mulf %mul3A_84, %slice3A_49 : vector<300x1xf32>
    %add3A_86 = arith.addf %slice3A_47, %mul3A_85 : vector<300x1xf32>
    %mul3A_87 = arith.constant 5.000000e-01 : f32
    %mul3A_88 = vector.broadcast %mul3A_87 : f32 to vector<1x20xf32>
    %mul3A_89 = arith.mulf %mul3A_88, %slice3A_52 : vector<1x20xf32>
    %sub3A_90 = arith.subf %slice3A_50, %mul3A_89 : vector<1x20xf32>
    %mul3A_91 = arith.constant 5.000000e-01 : f32
    %mul3A_92 = vector.broadcast %mul3A_91 : f32 to vector<1x20xf32>
    %mul3A_93 = arith.mulf %mul3A_92, %slice3A_52 : vector<1x20xf32>
    %add3A_94 = arith.addf %slice3A_50, %mul3A_93 : vector<1x20xf32>
    %mul3A_95 = arith.constant 5.000000e-01 : f32
    %mul3A_96 = vector.broadcast %mul3A_95 : f32 to vector<1x20xf32>
    %mul3A_97 = arith.mulf %mul3A_96, %slice3A_53 : vector<1x20xf32>
    %sub3A_98 = arith.subf %slice3A_51, %mul3A_97 : vector<1x20xf32>
    %mul3A_99 = arith.constant 5.000000e-01 : f32
    %mul3A_100 = vector.broadcast %mul3A_99 : f32 to vector<1x20xf32>
    %mul3A_101 = arith.mulf %mul3A_100, %slice3A_53 : vector<1x20xf32>
    %add3A_102 = arith.addf %slice3A_51, %mul3A_101 : vector<1x20xf32>
    %sub3A_103 = arith.subf %add3A_78, %sub3A_74 : vector<300x1xf32>
    %sub3A_104 = arith.subf %add3A_86, %sub3A_82 : vector<300x1xf32>
    %mul3A_105 = arith.mulf %sub3A_103, %sub3A_104 : vector<300x1xf32>
    %sub3A_106 = arith.subf %add3A_94, %sub3A_90 : vector<1x20xf32>
    %sub3A_107 = arith.subf %add3A_102, %sub3A_98 : vector<1x20xf32>
    %mul3A_108 = arith.mulf %sub3A_106, %sub3A_107 : vector<1x20xf32>
    %min3A = vector.broadcast %add3A_78 : vector<300x1xf32> to vector<300x20xf32>
    %min3A_109 = vector.broadcast %add3A_94 : vector<1x20xf32> to vector<300x20xf32>
    %min3A_110 = arith.minimumf %min3A, %min3A_109 : vector<300x20xf32>
    %max3A = vector.broadcast %sub3A_74 : vector<300x1xf32> to vector<300x20xf32>
    %max3A_111 = vector.broadcast %sub3A_90 : vector<1x20xf32> to vector<300x20xf32>
    %max3A_112 = arith.maximumf %max3A, %max3A_111 : vector<300x20xf32>
    %sub3A_113 = arith.subf %min3A_110, %max3A_112 : vector<300x20xf32>
    %max3A_114 = arith.constant 0.000000e+00 : f32
    %max3A_115 = vector.broadcast %max3A_114 : f32 to vector<300x20xf32>
    %max3A_116 = arith.maximumf %sub3A_113, %max3A_115 : vector<300x20xf32>
    %min3A_117 = vector.broadcast %add3A_86 : vector<300x1xf32> to vector<300x20xf32>
    %min3A_118 = vector.broadcast %add3A_102 : vector<1x20xf32> to vector<300x20xf32>
    %min3A_119 = arith.minimumf %min3A_117, %min3A_118 : vector<300x20xf32>
    %max3A_120 = vector.broadcast %sub3A_82 : vector<300x1xf32> to vector<300x20xf32>
    %max3A_121 = vector.broadcast %sub3A_98 : vector<1x20xf32> to vector<300x20xf32>
    %max3A_122 = arith.maximumf %max3A_120, %max3A_121 : vector<300x20xf32>
    %sub3A_123 = arith.subf %min3A_119, %max3A_122 : vector<300x20xf32>
    %max3A_124 = arith.constant 0.000000e+00 : f32
    %max3A_125 = vector.broadcast %max3A_124 : f32 to vector<300x20xf32>
    %max3A_126 = arith.maximumf %sub3A_123, %max3A_125 : vector<300x20xf32>
    %mul3A_127 = arith.mulf %max3A_116, %max3A_126 : vector<300x20xf32>
    %add3A_128 = vector.broadcast %mul3A_105 : vector<300x1xf32> to vector<300x20xf32>
    %add3A_129 = vector.broadcast %mul3A_108 : vector<1x20xf32> to vector<300x20xf32>
    %add3A_130 = arith.addf %add3A_128, %add3A_129 : vector<300x20xf32>
    %sub3A_131 = arith.subf %add3A_130, %mul3A_127 : vector<300x20xf32>
    %div3A = arith.divf %mul3A_127, %sub3A_131 : vector<300x20xf32>
    %max3A_132 = vector.broadcast %add3A_78 : vector<300x1xf32> to vector<300x20xf32>
    %max3A_133 = vector.broadcast %add3A_94 : vector<1x20xf32> to vector<300x20xf32>
    %max3A_134 = arith.maximumf %max3A_132, %max3A_133 : vector<300x20xf32>
    %min3A_135 = vector.broadcast %sub3A_74 : vector<300x1xf32> to vector<300x20xf32>
    %min3A_136 = vector.broadcast %sub3A_90 : vector<1x20xf32> to vector<300x20xf32>
    %min3A_137 = arith.minimumf %min3A_135, %min3A_136 : vector<300x20xf32>
    %sub3A_138 = arith.subf %max3A_134, %min3A_137 : vector<300x20xf32>
    %max3A_139 = vector.broadcast %add3A_86 : vector<300x1xf32> to vector<300x20xf32>
    %max3A_140 = vector.broadcast %add3A_102 : vector<1x20xf32> to vector<300x20xf32>
    %max3A_141 = arith.maximumf %max3A_139, %max3A_140 : vector<300x20xf32>
    %min3A_142 = vector.broadcast %sub3A_82 : vector<300x1xf32> to vector<300x20xf32>
    %min3A_143 = vector.broadcast %sub3A_98 : vector<1x20xf32> to vector<300x20xf32>
    %min3A_144 = arith.minimumf %min3A_142, %min3A_143 : vector<300x20xf32>
    %sub3A_145 = arith.subf %max3A_141, %min3A_144 : vector<300x20xf32>
    %mul3A_146 = arith.mulf %sub3A_138, %sub3A_145 : vector<300x20xf32>
    %sub3A_147 = arith.subf %mul3A_146, %sub3A_131 : vector<300x20xf32>
    %div3A_148 = arith.divf %sub3A_147, %mul3A_146 : vector<300x20xf32>
    %sub3A_149 = arith.subf %div3A, %div3A_148 : vector<300x20xf32>
    %mul3A_150 = arith.constant 5.000000e+00 : f32
    %mul3A_151 = vector.broadcast %mul3A_150 : f32 to vector<300x20xf32>
    %mul3A_152 = arith.mulf %mul3A_151, %add3A_71 : vector<300x20xf32>
    %mul3A_153 = arith.constant 1.000000e+00 : f32
    %mul3A_154 = vector.broadcast %mul3A_153 : f32 to vector<300x20xf32>
    %mul3A_155 = arith.mulf %mul3A_154, %neg3A_46 : vector<300x20xf32>
    %add3A_156 = arith.addf %mul3A_152, %mul3A_155 : vector<300x20xf32>
    %mul3A_157 = arith.constant 2.000000e+00 : f32
    %mul3A_158 = vector.broadcast %mul3A_157 : f32 to vector<300x20xf32>
    %mul3A_159 = arith.mulf %mul3A_158, %sub3A_149 : vector<300x20xf32>
    %sub3A_160 = arith.subf %add3A_156, %mul3A_159 : vector<300x20xf32>
    %swap3A = arith.constant 0 : index
    %swap3A_161 = arith.constant 0 : index
    %swap3A_162 = arith.constant 0 : index
    %swap3A_163 = vector.load %arg5[%swap3A, %swap3A_161, %swap3A_162] : memref<1x300x20xf32, #tpu.memory_space<vmem>>, vector<1x300x20xf32>
    %swap3A_164 = vector.shape_cast %swap3A_163 : vector<1x300x20xf32> to vector<300x20xf32>
    %swap3A_165 = vector.shape_cast %sub3A_160 : vector<300x20xf32> to vector<1x300x20xf32>
    tpu.vector_store %arg5[%swap3A, %swap3A_161, %swap3A_162], %swap3A_165 {strides = array<i32>} : memref<1x300x20xf32, #tpu.memory_space<vmem>>, vector<1x300x20xf32>,
    %swap3A_166 = arith.constant 0 : index
    %swap3A_167 = arith.constant 0 : index
    %swap3A_168 = arith.constant 0 : index
    %swap3A_169 = vector.load %arg6[%swap3A_166, %swap3A_167, %swap3A_168] : memref<1x300x20xf32, #tpu.memory_space<vmem>>, vector<1x300x20xf32>
    %swap3A_170 = vector.shape_cast %swap3A_169 : vector<1x300x20xf32> to vector<300x20xf32>
    %swap3A_171 = vector.shape_cast %add3A_71 : vector<300x20xf32> to vector<1x300x20xf32>
    tpu.vector_store %arg6[%swap3A_166, %swap3A_167, %swap3A_168], %swap3A_171 {strides = array<i32>} : memref<1x300x20xf32, #tpu.memory_space<vmem>>, vector<1x300x20xf32>,
    %broadcast_in_dim3A_172 = arith.constant 0.000000e+00 : f32
    %broadcast_in_dim3A_173 = vector.broadcast %broadcast_in_dim3A_172 : f32 to vector<300x9xf32>
    %concatenate3A = tpu.concatenate %dot_general3A_41, %add3A, %broadcast_in_dim3A_28, %convert_element_type3A_35, %broadcast_in_dim3A_173 in 1 : vector<300x20xf32>, vector<300x1xf32>, vector<300x1xf32>, vector<300x1xf32>, vector<300x9xf32> -> vector<300x32xf32>
    %swap3A_174 = arith.constant 0 : index
    %swap3A_175 = arith.constant 0 : index
    %swap3A_176 = arith.constant 0 : index
    %swap3A_177 = vector.load %arg7[%swap3A_174, %swap3A_175, %swap3A_176] : memref<1x300x32xf32, #tpu.memory_space<vmem>>, vector<1x300x32xf32>
    %swap3A_178 = vector.shape_cast %swap3A_177 : vector<1x300x32xf32> to vector<300x32xf32>
    %swap3A_179 = vector.shape_cast %concatenate3A : vector<300x32xf32> to vector<1x300x32xf32>
    tpu.vector_store %arg7[%swap3A_174, %swap3A_175, %swap3A_176], %swap3A_179 {strides = array<i32>} : memref<1x300x32xf32, #tpu.memory_space<vmem>>, vector<1x300x32xf32>,
    return
  }
  func.func @transform_0(%arg0: i32) -> (i32, i32, i32) {
    %c0_i32 = arith.constant 0 : i32
    %c0_i32_0 = arith.constant 0 : i32
    %c0_i32_1 = arith.constant 0 : i32
    return %arg0, %c0_i32, %c0_i32_0 : i32, i32, i32
  }
  func.func @transform_1(%arg0: i32) -> (i32, i32, i32) {
    %c0_i32 = arith.constant 0 : i32
    %c0_i32_0 = arith.constant 0 : i32
    %c0_i32_1 = arith.constant 0 : i32
    return %arg0, %c0_i32, %c0_i32_0 : i32, i32, i32
  }
  func.func @transform_2(%arg0: i32) -> (i32, i32, i32) {
    %c0_i32 = arith.constant 0 : i32
    %c0_i32_0 = arith.constant 0 : i32
    %c0_i32_1 = arith.constant 0 : i32
    return %arg0, %c0_i32, %c0_i32_0 : i32, i32, i32
  }
  func.func @transform_3(%arg0: i32) -> (i32, i32, i32) {
    %c0_i32 = arith.constant 0 : i32
    %c0_i32_0 = arith.constant 0 : i32
    %c0_i32_1 = arith.constant 0 : i32
    return %arg0, %c0_i32, %c0_i32_0 : i32, i32, i32
  }
  func.func @transform_4(%arg0: i32) -> (i32, i32, i32) {
    %c0_i32 = arith.constant 0 : i32
    %c0_i32_0 = arith.constant 0 : i32
    %c0_i32_1 = arith.constant 0 : i32
    return %arg0, %c0_i32, %c0_i32_0 : i32, i32, i32
  }
  func.func @transform_5(%arg0: i32) -> (i32, i32, i32) {
    %c0_i32 = arith.constant 0 : i32
    %c0_i32_0 = arith.constant 0 : i32
    %c0_i32_1 = arith.constant 0 : i32
    return %arg0, %c0_i32, %c0_i32_0 : i32, i32, i32
  }
  func.func @transform_6(%arg0: i32) -> (i32, i32, i32) {
    %c0_i32 = arith.constant 0 : i32
    %c0_i32_0 = arith.constant 0 : i32
    %c0_i32_1 = arith.constant 0 : i32
    return %arg0, %c0_i32, %c0_i32_0 : i32, i32, i32
  }
}

</mosaic_0001>

<sc_bundles>
// kernel: gather_offload_async_start.1
scs
__scs_entry_jumppad:
0x0: {  	(pc) =	sbr.rel $0x88, $3  }
0x1: {  	(tag) =	ssettag $0x0;
	lr =	simm.s32 $0x1  }
0x2: {  	[smem:$0x3F9D] =	sst lr;
	_ =	strace $0xD0000000  }
0x3: {  	_ = 	snop  }
0x4: {  	_ = 	snop  }
0x5: {  	_ = 	snop  }
0x6: {  	_ = 	snop  }
0x7: {  	_ = 	snop  }
__scs_overlays_trampoline_lowered:
0x8: {  	[smem:$0x3FAC] =	sst s0  }
0x9: {  	[smem:$0x3FAD] =	sst s1  }
0xa: {  	[smem:$0x3FAE] =	sst s2  }
0xb: {  	[smem:$0x3FAF] =	sst s3  }
0xc: {  	[smem:$0x3FB0] =	sst s4  }
0xd: {  	[smem:$0x3FB1] =	sst s5  }
0xe: {  	[smem:$0x3FB2] =	sst s6  }
0xf: {  	[smem:$0x3FB3] =	sst s7  }
0x10: {  	[smem:$0x3FB4] =	sst s8  }
0x11: {  	[smem:$0x3FB5] =	sst s9;
	s0 =	simm.s32 @!p0 $0x0  }
0x12: {  	s1 =	sld [smem:$0x3F9B];
	s0 =	simm.s32 @p0 $0x1  }
0x13: {  	[smem:$0x3FB6] =	sst s0;
	s0 =	simm.s32 @!p1 $0x0  }
0x14: {  	s2 =	sld [smem:$0x3F9A];
	s0 =	simm.s32 @p1 $0x1  }
0x15: {  	[smem:$0x3FB7] =	sst s0;
	s0 =	simm.s32 @!p2 $0x0  }
0x16: {  	s3 =	sld [smem:$0x3FDB];
	s0 =	simm.s32 @p2 $0x1  }
0x17: {  	s4 =	simm.s32 $0x1BF5;
	[smem:$0x3FB9] =	sst s0  }
0x18: {  	s0 =	sld [smem:$0x3F9C];
	_ =	swait.ge [sflag:s4], $0x0  }
0x19: {  	s7 =	sld [smem:$0x3F9D]  }
0x1a: {  	s8 =	sadd.s32 $0xFFFFE003, lr  }
0x1b: {  	s9 =	sadd.s32 $0xFFFFFEF7, lr;
	s5 =	simm.s32 $0xFFFFFFFF;
	p2 =	slt.u32 s8, $0xFFFFF086  }
0x1c: {  	p1 =	slt.u32 s9, $0xF7A;
	s5 =	simm.s32 @!p2 $0x0  }
0x1d: {  	s5 =	simm.s32 @p1 $0x1;
	p0 =	seq.s32 s7, s2  }
0x1e: {  	s7 =	smul.u32 @!p0 $0xF7A, s2;
	p2 =	seq.s32 @!p0 s5, $0x0  }
0x1f: {  	s9 =	smul.u32 $0xF7A, s1;
	s8 =	simm.s32 @!p0 $0x1BF5;
	p2 =	por !p2, p0  }
0x20: {  	[sflag:s8] =	ssyncset.s32 @!p0 $0xFFFFF086;
	s6 =	sadd.s32 @!p0 s3, s7;
	s7 =	simm.s32 @!p0 $0x108  }
0x21: {  	s3 =	sadd.s32 s3, s9;
	s6 =	sadd.s32 @!p0 $0x88, s6;
	s7 =	simm.s32 @p2 $0x1082  }
0x22: {  	[simem:s7], [sflag:s8] =	dma.local @!p0 [hbm:s6], $0xF7A  }
0x23: {  	s9 =	sor.u32 $0xD0000000, s2;
	s6 =	simm.s32 $0x108;
	_ =	swait.ge @!p0 [sflag:s8], $0x0  }
0x24: {  	s3 =	sadd.s32 $0x88, s3;
	s6 =	simm.s32 @!p1 $0x1082;
	[sflag:s4] =	ssyncset.s32 $0xFFFFF086  }
0x25: {  	[simem:s6], [sflag:s4] =	dma.local [hbm:s3], $0xF7A  }
0x26: {  	[smem:$0x3F9D] =	sst s1;
	(tag) =	ssettag s2;
	_ =	strace s9  }
0x27: {  	s1 =	sld [smem:$0x3FAD]  }
0x28: {  	s2 =	sld [smem:$0x3FAE]  }
0x29: {  	s4 =	sld [smem:$0x3FB0]  }
0x2a: {  	p0 =	seq.s32 s5, $0x0;
	s5 =	sld [smem:$0x3FB1]  }
0x2b: {  	s6 =	sld [smem:$0x3FB2]  }
0x2c: {  	s7 =	sld [smem:$0x3FB3]  }
0x2d: {  	s3 =	simm.s32 $0x108;
	s8 =	sld [smem:$0x3FB4]  }
0x2e: {  	s3 =	simm.s32 @!p0 $0x1082;
	s9 =	sld [smem:$0x3FB5]  }
0x2f: {  	lr =	sadd.s32 s0, s3;
	s0 =	sld [smem:$0x3FAC]  }
0x30: {  	s3 =	sld [smem:$0x3FAF]  }
0x31: {  	[smem:$0x3FB8] =	sst s10  }
0x32: {  	s10 =	sld [smem:$0x3FB6];
	_ =	sdelay $0x3  }
0x33: {  	p0 =	seq.s32 s10, $0x1;
	s10 =	sld [smem:$0x3FB8];
	_ =	sdelay $0x3  }
0x34: {  	[smem:$0x3FB8] =	sst s10  }
0x35: {  	s10 =	sld [smem:$0x3FB7];
	_ =	sdelay $0x3  }
0x36: {  	p1 =	seq.s32 s10, $0x1;
	s10 =	sld [smem:$0x3FB8];
	_ =	sdelay $0x3  }
0x37: {  	[smem:$0x3FB8] =	sst s10  }
0x38: {  	s10 =	sld [smem:$0x3FB9]  }
0x39: {  	_ = 	snop;
	(pc) =	sbr.ind lr, $3  }
0x3a: {  	_ = 	snop  }
0x3b: {  	_ = 	snop  }
0x3c: {  	p2 =	seq.s32 s10, $0x1;
	s10 =	sld [smem:$0x3FB8]  }
0x3d: {  	_ =	shalt  }
0x3e: {  	_ =	shalt  }
0x3f: {  	_ =	shalt  }
0x40: {  	_ =	shalt  }
0x41: {  	_ =	shalt  }
0x42: {  	_ =	shalt  }
0x43: {  	_ =	shalt  }
0x44: {  	_ =	shalt  }
0x45: {  	_ =	shalt  }
0x46: {  	_ =	shalt  }
0x47: {  	_ =	shalt  }
0x48: {  	_ =	shalt  }
0x49: {  	_ =	shalt  }
0x4a: {  	_ =	shalt  }
0x4b: {  	_ =	shalt  }
0x4c: {  	_ =	shalt  }
0x4d: {  	_ =	shalt  }
0x4e: {  	_ =	shalt  }
0x4f: {  	_ =	shalt  }
0x50: {  	_ =	shalt  }
0x51: {  	_ =	shalt  }
0x52: {  	_ =	shalt  }
0x53: {  	_ =	shalt  }
0x54: {  	_ =	shalt  }
0x55: {  	_ =	shalt  }
0x56: {  	_ =	shalt  }
0x57: {  	_ =	shalt  }
0x58: {  	_ =	shalt  }
0x59: {  	_ =	shalt  }
0x5a: {  	_ =	shalt  }
0x5b: {  	_ =	shalt  }
0x5c: {  	_ =	shalt  }
0x5d: {  	_ =	shalt  }
0x5e: {  	_ =	shalt  }
0x5f: {  	_ =	shalt  }
0x60: {  	_ =	shalt  }
0x61: {  	_ =	shalt  }
0x62: {  	_ =	shalt  }
0x63: {  	_ =	shalt  }
0x64: {  	_ =	shalt  }
0x65: {  	_ =	shalt  }
0x66: {  	_ =	shalt  }
0x67: {  	_ =	shalt  }
0x68: {  	_ =	shalt  }
0x69: {  	_ =	shalt  }
0x6a: {  	_ =	shalt  }
0x6b: {  	_ =	shalt  }
0x6c: {  	_ =	shalt  }
0x6d: {  	_ =	shalt  }
0x6e: {  	_ =	shalt  }
0x6f: {  	_ =	shalt  }
0x70: {  	_ =	shalt  }
0x71: {  	_ =	shalt  }
0x72: {  	_ =	shalt  }
0x73: {  	_ =	shalt  }
0x74: {  	_ =	shalt  }
0x75: {  	_ =	shalt  }
0x76: {  	_ =	shalt  }
0x77: {  	_ =	shalt  }
0x78: {  	_ =	shalt  }
0x79: {  	_ =	shalt  }
0x7a: {  	_ =	shalt  }
0x7b: {  	_ =	shalt  }
0x7c: {  	_ =	shalt  }
0x7d: {  	_ =	shalt  }
0x7e: {  	_ =	shalt  }
0x7f: {  	_ =	shalt  }
0x80: {  	_ =	shalt  }
0x81: {  	_ =	shalt  }
0x82: {  	_ =	shalt  }
0x83: {  	_ =	shalt  }
0x84: {  	_ =	shalt  }
0x85: {  	_ =	shalt  }
0x86: {  	_ =	shalt  }
0x87: {  	_ =	shalt  }
.Lfunc_end0:
.L_simem_size_0:
called_computation.2_lowered:
.L_overlay_start_0:
0x88: {  	s2 =	sld [smem:$0x3FD9]  }
0x89: {  	s3 =	sld [smem:$0x3FFE];
	_ =	sdelay $0x1  }
0x8a: {  	s1 =	srdreg.scid  }
0x8b: {  	s0 =	sand.u32 $0x1, s1  }
0x8c: {  	s16 =	sshll.u32 s0, $0xA;
	s2 =	sadd.s32 s3, s2  }
0x8d: {  	s2 =	sadd.s32 s2, s16  }
0x8e: {  	[smem:$0x3FC4] =	sst s2  }
0x8f: {  	_ = 	snop  }
0x90: {  	(tm) =	ssettm $0x1  }
0x91: {  	s17 =	sld [smem:$0x3FFB];
	_ =	sdelay $0x3  }
0x92: {  	_ =	strace s17  }
0x93: {  	s2 =	sld [smem:$0x3FFC];
	_ =	sdelay $0x3  }
0x94: {  	_ =	strace s2  }
0x95: {  	s2 =	sld [smem:$0x3FFD];
	_ =	sdelay $0x3  }
0x96: {  	_ =	strace s2  }
0x97: {  	_ =	strace $0x8FFFFFFF  }
0x98: {  	s18 =	sld [smem:$0x3FDB];
	_ =	sdelay $0x1  }
0x99: {  	s19 =	simm.s32 $_scs_section_size  }
0x9a: {  	s4 =	simm.s32 $_size__tile_overlayer_lowered;
	s5 =	simm.s32 $_tile_overlayer_lowered  }
0x9b: {  	s22 =	simm.s32 $0x1BFF;
	s21 =	sshll.u32 s5, $0x1;
	s2 =	sadd.s32 s19, s18  }
0x9c: {  	s6 =	simm.s32 $0x0;
	s20 =	sshll.u32 s4, $0x1;
	s4 =	sadd.s32 s21, s2  }
0x9d: {  	[timem:s6], [sflag:s22] =	dma.local [hbm:s4], s20  }
0x9e: {  	_ =	swait.ge [sflag:s22], s20  }
0x9f: {  	s3 =	ssub.s32 $0x0, s20;
	[sflag:s22] =	ssyncset.done $0x0  }
0xa0: {  	[sflag:s22] =	ssyncadd.s32 s3;
	_ =	sdelay $0x1  }
0xa1: {  	s23 =	simm.s32 $0x1B8B  }
0xa2: {  	_ =	swait.ge [sflag:s23], $0x1  }
0xa3: {  	[sflag:s23] =	ssyncset.done $0x0  }
0xa4: {  	s25 =	simm.s32 $0x1B8E;
	s24 =	sld [smem:$0x3FFE];
	[sflag:s23] =	ssyncadd.s32 $0xFFFFFFFF  }
0xa5: {  	s26 =	simm.s32 $execute0_lowered;
	[smem:$0x3FD2] =	sst s25  }
0xa6: {  	s4 =	sshll.u32 s26, $0x1;
	_ =	strace $0x80000046;
	[dreg:$0x1] =	wrdreg $0xFFFFFFFF  }
0xa7: {  	s28 =	simm.s32 $_size_execute0_lowered;
	s2 =	sadd.s32 s2, s4;
	[dreg:$0x0] =	wrdreg $0x0  }
0xa8: {  	s4 =	sshll.u32 s28, $0x1;
	[dreg:$0x2] =	wrdreg s2  }
0xa9: {  	[dreg:$0x3] =	wrdreg s4  }
0xaa: {  	[dreg:$0x4] =	wrdreg $0xC0  }
0xab: {  	_ =	task [dreg:s6], $0x5FFFF  }
0xac: {  	[dreg:$0x1] =	wrdreg $0xFFFFFFFF  }
0xad: {  	[dreg:$0x0] =	wrdreg $0x60  }
0xae: {  	[dreg:$0x2] =	wrdreg s24  }
0xaf: {  	[dreg:$0x3] =	wrdreg $0xA  }
0xb0: {  	_ =	task.clear_ibuf [dreg:s6], $0x4FFFF;
	_ =	strace $0x90000046  }
0xb1: {  	s29 =	simm.s32 $0xA;
	_ =	strace $0x80000048  }
0xb2: {  	_ =	swait.ge [sflag:s29], $0x1  }
0xb3: {  	[sflag:s29] =	ssyncadd.s32 $0xFFFFFFFF  }
0xb4: {  	_ =	strace $0x90000048  }
0xb5: {  	_ =	sfence  }
0xb6: {  	s30 =	sld [smem:$0x0];
	_ =	sdelay $0x2  }
0xb7: {  	s31 =	sshll.u32 s1, $0xD;
	s1 =	sshrl.u32 s1, $0x2  }
0xb8: {  	s3 =	sand.u32 $0x4000, s31;
	s1 =	sadd.s32 s1, s30  }
0xb9: {  	s0 =	sor.u32 s3, s0;
	s1 =	sshll.u32 s1, $0x11  }
0xba: {  	s0 =	sor.u32 s1, s0  }
0xbb: {  	s0 =	sadd.s32 $0x8F2B, s0  }
0xbc: {  	[sflag:s0] =	ssyncadd.remote.s32 $0x1  }
0xbd: {  	_ =	sfence.sel $0xFFFF  }
0xbe: {  	[dreg:$0x0] =	wrdreg $0xFFFFFFFF;
	(pc) =	sbr.abs _section_cstart, $3  }
0xbf: {  	[dreg:$0x1] =	wrdreg $0xFFFFFFFF  }
0xc0: {  	_ =	task.clear_ibuf [dreg:s6], $0x2FFFF;
	_ =	strace $0x9FFFFFFF  }
0xc1: {  	(tm) =	ssettm $0x7FFFFFFF  }
tec
execute0_lowered:
.L_overlay_start_1:
0x0: {  	(tag) =	ssettag $0x1  }
0x1: {  	s1 =	srdreg.scid  }
0x2: {  	s0 =	stileid.u32;
	s8 =	rddreg [dreg:$0x0];
	s5 =	simm.s32 $0x1  }
0x3: {  	s9 =	simm.s32 $0x1;
	s10 =	simm.s32 $0x3;
	s1 =	sshll.u32 s1, $0x5  }
0x4: {  	s13 =	simm.s32 $0x0;
	s2 =	sshll.u32 s0, $0x6;
	s3 =	sand.u32 $0x20, s1  }
0x5: {  	s12 =	simm.s32 $0x0;
	s4 =	sadd.s32 $0x4C200, s8;
	s2 =	sor.u32 s2, s3  }
0x6: {  	s1 =	rddreg [dreg:$0x1];
	_ =	strace $0x80000047;
	s7 =	ssub.s32 $0x500, s2  }
.Ltmp0:
0x7: {  	s3 =	sadd.s32 $0x4C400, s8;
	s6 =	sand.u32 $0x3E0, s7;
	(pc) =	sbr.rel .LBB2_1-.Ltmp0, $4  }
0x8: {  	[sflag:s5] =	ssyncpa.u1 $0x0;
	s8 =	sadd.s32 $0x4D200, s8;
	p0 =	sne.s32 s6, $0x0  }
0x9: {  	s7 =	sshrl.u32 s7, $0xA;
	s6 =	simm.s32 $0x2;
	s9 =	simm.s32 @!p0 $0x0  }
0xa: {  	s11 =	smov.u32 s2;
	[sflag:s6] =	ssyncpa.u1 $0x0;
	s7 =	sadd.s32 s9, s7  }
0xb: {  	vm0 =	vmmov $0xffff;
	[sflag:s10] =	ssyncpa.u1 $0x0;
	s10 =	simm.s32 $0x0;
	s9 =	sadd.s32 $0x1, s7  }
.LBB2_5:
0xc: {  	s15 =	sadd.s32 $0x400, s11  }
0xd: {  	p1 =	sgt.s32 s15, $0x4FF  }
0xe: {  	s15 =	smov.u32 @p1 s2;
	p1 =	sne.s32 s12, s9  }
.Ltmp1:
0xf: {  	p0 =	slt.u32 s12, $0x2;
	(pc) =	sbr.rel @!p1 .LBB2_6-.Ltmp1, $4  }
0x10: {  	s14 =	simm.s32 @!p0 $0x3  }
0x11: {  	_ =	swait.ge @!p0 [sflag:s14], $0x20  }
0x12: {  	s16 =	sadd.s32 $0x1, s12;
	s13 =	smov.u32 s11;
	[sflag:s14] =	ssyncset.done @!p0 $0x0  }
0x13: {  	s12 =	smov.u32 s16;
	s11 =	smov.u32 s15;
	[sflag:s14] =	ssyncadd.s32 @!p0 $0xFFFFFFE0  }
.LBB2_1:
0x14: {  	p0 =	sge.u32 s12, s7  }
0x15: {  	s14 =	sxor.u32 @!p0 $0xFFFFFFFF, s12  }
0x16: {  	s31 =	sadd.s32 $0xFFFFFFFF, s12;
	s15 =	sshrl.u32 @!p0 s11, $0x3;
	s14 =	sshll.u32 @!p0 s14, $0x5  }
0x17: {  	s16 =	sand.u32 @!p0 $0x7, s11;
	s15 =	sadd.s32 @!p0 s4, s15;
	s14 =	sand.u32 @!p0 $0x20, s14  }
0x18: {  	[tilespmem:s14], [sflag:$0x2] =	stream.linear.gather @!p0 [hbm4b:s15+s16], $0x20, $0x38;
	[tilespmem:$0x80] =	vst v63  }
0x19: {  	p0 =	sge.u32 s31, s7  }
.Ltmp2:
0x1a: {  	_ = 	snop;
	(pc) =	sbr.rel @p0 .LBB2_5-.Ltmp2, $1  }
0x1b: {  	_ =	sdelay $0x3  }
0x1c: {  	_ =	swait.ge [sflag:s6], $0x20;
	s14 =	sshll.u32 s12, $0x5;
	s16 =	simm.s32 $0x0  }
0x1d: {  	p0 =	por $0x1, $0x1;
	[sflag:s6] =	ssyncset.done $0x0;
	s15 =	sand.u32 $0x20, s14  }
0x1e: {  	[sflag:s6] =	ssyncadd.s32 $0xFFFFFFE0;
	(ifvalue) =	ssetifvalue $0x7FFFFFFF;
	s14 =	sor.u32 $0x40, s15  }
.LBB2_3:
0x1f: {  	s17 =	sadd.s32 s16, s15  }
0x20: {  	v0 =	vld.msk [tilespmem:s17+$0x0 ss:$0x1], $0xffff;
	_ =	sdelay $0x4  }
0x21: {  	vm1 =	veq.s32 v0, $0x80000000;
	v1 =	vand.u32 $0x3F, v0;
	v0 =	vshrl.u32 v0, $0x6  }
0x22: {  	v1 =	vsel vm1, $0xFFFFFFFF, v1;
	v0 =	vand.u32 $0x1FF, v0  }
0x23: {  	v0 =	vsel vm1, $0xFFFFFFFF, v0;
	v2 =	vshrl.u32 v1, $0x3  }
0x24: {  	v2 =	vmul.u32 $0xC00, v2;
	v3 =	vshll.u32 v0, $0x3  }
0x25: {  	v1 =	vshll.u32 v1, $0x7;
	v3 =	vand.u32 $0xFFFFFC00, v3  }
0x26: {  	v1 =	vand.u32 $0x380, v1;
	v2 =	vadd.s32 v2, v3  }
0x27: {  	v0 =	vand.u32 $0x7F, v0;
	v1 =	vor.u32 v1, v2  }
0x28: {  	p1 =	por p0, p0;
	v0 =	vor.u32 v0, v1  }
.Ltmp3:
0x29: {  	_ = 	snop;
	(pc) =	sbr.rel @p1 .LBB2_3-.Ltmp3, $4  }
0x2a: {  	_ = 	snop  }
0x2b: {  	s31 =	sadd.s32 s16, s14  }
0x2c: {  	s16 =	simm.s32 $0x10;
	p0 =	por $0x0, $0x0;
	(ifvalue) =	ssetifvalue $0x7FFFFFFF  }
0x2d: {  	[tilespmem:s31], [sflag:$0x1] =	stream.indirect_vreg.gather [hbm4b:s3+s10], $0x1, v0, vm0, $0x4038;
	[tilespmem:$0x80] =	vst v63  }
.Ltmp4:
0x2e: {  	(pc) =	sbr.rel .LBB2_5-.Ltmp4, $4  }
0x2f: {  	_ =	swait.ge [sflag:s5], $0x20  }
0x30: {  	s15 =	sshrl.u32 s13, $0x3;
	[sflag:s5] =	ssyncset.done $0x0  }
0x31: {  	s31 =	sand.u32 $0x7, s13;
	s15 =	sadd.s32 s8, s15;
	[sflag:s5] =	ssyncadd.s32 $0xFFFFFFE0  }
0x32: {  	[hbm4b:s15+s31] =	stream.linear.scatter [tilespmem:s14], [sflag:$0x3], $0x20, $0x38;
	[tilespmem:$0x80] =	vst v63  }
.LBB2_6:
0x33: {  	_ =	sfence.sel $0x180000  }
0x34: {  	s2 =	simm.s32 $0x2;
	[bflag:$0x0] =	sbarrier.arrive $0xFFFF  }
0x35: {  	s30 =	simm.s32 $0x3;
	[sflag:s2] =	ssyncpa.u1 $0x1  }
0x36: {  	s31 =	simm.s32 $0x1;
	[sflag:s30] =	ssyncpa.u1 $0x1  }
0x37: {  	[sflag:s31] =	ssyncpa.u1 $0x1  }
0x38: {  	p0 =	sne.s32 s0, $0x0;
	_ =	strace $0x90000047  }
0x39: {  	s0 =	sadd.s32 @!p0 $0x100000, s1;
	[bflag:$0x2] =	sbarrier.arrive $0xFFFF  }
0x3a: {  	[sflag:s0] =	ssyncadd.tile.s32 @!p0 $0x1;
	_ =	shalt  }
.Lfunc_end2:
_tile_overlayer_lowered:
.L_overlay_start_2:
0x3b: {  	(tag) =	ssettag $0x2  }
0x3c: {  	s0 =	rddreg [dreg:$0x0];
	s2 =	stileid.u32  }
0x3d: {  	s1 =	rddreg [dreg:$0x1];
	p0 =	sne.s32 s2, $0x0  }
0x3e: {  	s3 =	rddreg [dreg:$0x2];
	[bflag:$0x3] =	sbarrier.arrive $0xFFFF;
	s2 =	simm.s32 @!p0 $0x1C01  }
0x3f: {  	[timem:s3], [sflag:s2] =	dma.local @!p0 [hbm:s0], s1  }
0x40: {  	s0 =	simm.s32 @!p0 $0x1  }
0x41: {  	_ =	swait.ge @!p0 [sflag:s0], s1  }
0x42: {  	s1 =	ssub.s32 @!p0 $0x0, s1;
	[sflag:s0] =	ssyncset.done @!p0 $0x0  }
0x43: {  	[sflag:s0] =	ssyncadd.s32 @!p0 s1  }
0x44: {  	[bflag:$0x3] =	sbarrier.arrive $0xFFFF  }
0x45: {  	_ =	shalt  }

// kernel: gather_offload_async_start.2
scs
__scs_entry_jumppad:
0x0: {  	(pc) =	sbr.rel $0x88, $3  }
0x1: {  	(tag) =	ssettag $0x0;
	lr =	simm.s32 $0x1  }
0x2: {  	[smem:$0x3F9D] =	sst lr;
	_ =	strace $0xD0000000  }
0x3: {  	_ = 	snop  }
0x4: {  	_ = 	snop  }
0x5: {  	_ = 	snop  }
0x6: {  	_ = 	snop  }
0x7: {  	_ = 	snop  }
__scs_overlays_trampoline_lowered:
0x8: {  	[smem:$0x3FAC] =	sst s0  }
0x9: {  	[smem:$0x3FAD] =	sst s1  }
0xa: {  	[smem:$0x3FAE] =	sst s2  }
0xb: {  	[smem:$0x3FAF] =	sst s3  }
0xc: {  	[smem:$0x3FB0] =	sst s4  }
0xd: {  	[smem:$0x3FB1] =	sst s5  }
0xe: {  	[smem:$0x3FB2] =	sst s6  }
0xf: {  	[smem:$0x3FB3] =	sst s7  }
0x10: {  	[smem:$0x3FB4] =	sst s8  }
0x11: {  	[smem:$0x3FB5] =	sst s9;
	s0 =	simm.s32 @!p0 $0x0  }
0x12: {  	s1 =	sld [smem:$0x3F9B];
	s0 =	simm.s32 @p0 $0x1  }
0x13: {  	[smem:$0x3FB6] =	sst s0;
	s0 =	simm.s32 @!p1 $0x0  }
0x14: {  	s2 =	sld [smem:$0x3F9A];
	s0 =	simm.s32 @p1 $0x1  }
0x15: {  	[smem:$0x3FB7] =	sst s0;
	s0 =	simm.s32 @!p2 $0x0  }
0x16: {  	s3 =	sld [smem:$0x3FDB];
	s0 =	simm.s32 @p2 $0x1  }
0x17: {  	s4 =	simm.s32 $0x1BF5;
	[smem:$0x3FB9] =	sst s0  }
0x18: {  	s0 =	sld [smem:$0x3F9C];
	_ =	swait.ge [sflag:s4], $0x0  }
0x19: {  	s7 =	sld [smem:$0x3F9D]  }
0x1a: {  	s8 =	sadd.s32 $0xFFFFE003, lr  }
0x1b: {  	s9 =	sadd.s32 $0xFFFFFEF7, lr;
	s5 =	simm.s32 $0xFFFFFFFF;
	p2 =	slt.u32 s8, $0xFFFFF086  }
0x1c: {  	p1 =	slt.u32 s9, $0xF7A;
	s5 =	simm.s32 @!p2 $0x0  }
0x1d: {  	s5 =	simm.s32 @p1 $0x1;
	p0 =	seq.s32 s7, s2  }
0x1e: {  	s7 =	smul.u32 @!p0 $0xF7A, s2;
	p2 =	seq.s32 @!p0 s5, $0x0  }
0x1f: {  	s9 =	smul.u32 $0xF7A, s1;
	s8 =	simm.s32 @!p0 $0x1BF5;
	p2 =	por !p2, p0  }
0x20: {  	[sflag:s8] =	ssyncset.s32 @!p0 $0xFFFFF086;
	s6 =	sadd.s32 @!p0 s3, s7;
	s7 =	simm.s32 @!p0 $0x108  }
0x21: {  	s3 =	sadd.s32 s3, s9;
	s6 =	sadd.s32 @!p0 $0x88, s6;
	s7 =	simm.s32 @p2 $0x1082  }
0x22: {  	[simem:s7], [sflag:s8] =	dma.local @!p0 [hbm:s6], $0xF7A  }
0x23: {  	s9 =	sor.u32 $0xD0000000, s2;
	s6 =	simm.s32 $0x108;
	_ =	swait.ge @!p0 [sflag:s8], $0x0  }
0x24: {  	s3 =	sadd.s32 $0x88, s3;
	s6 =	simm.s32 @!p1 $0x1082;
	[sflag:s4] =	ssyncset.s32 $0xFFFFF086  }
0x25: {  	[simem:s6], [sflag:s4] =	dma.local [hbm:s3], $0xF7A  }
0x26: {  	[smem:$0x3F9D] =	sst s1;
	(tag) =	ssettag s2;
	_ =	strace s9  }
0x27: {  	s1 =	sld [smem:$0x3FAD]  }
0x28: {  	s2 =	sld [smem:$0x3FAE]  }
0x29: {  	s4 =	sld [smem:$0x3FB0]  }
0x2a: {  	p0 =	seq.s32 s5, $0x0;
	s5 =	sld [smem:$0x3FB1]  }
0x2b: {  	s6 =	sld [smem:$0x3FB2]  }
0x2c: {  	s7 =	sld [smem:$0x3FB3]  }
0x2d: {  	s3 =	simm.s32 $0x108;
	s8 =	sld [smem:$0x3FB4]  }
0x2e: {  	s3 =	simm.s32 @!p0 $0x1082;
	s9 =	sld [smem:$0x3FB5]  }
0x2f: {  	lr =	sadd.s32 s0, s3;
	s0 =	sld [smem:$0x3FAC]  }
0x30: {  	s3 =	sld [smem:$0x3FAF]  }
0x31: {  	[smem:$0x3FB8] =	sst s10  }
0x32: {  	s10 =	sld [smem:$0x3FB6];
	_ =	sdelay $0x3  }
0x33: {  	p0 =	seq.s32 s10, $0x1;
	s10 =	sld [smem:$0x3FB8];
	_ =	sdelay $0x3  }
0x34: {  	[smem:$0x3FB8] =	sst s10  }
0x35: {  	s10 =	sld [smem:$0x3FB7];
	_ =	sdelay $0x3  }
0x36: {  	p1 =	seq.s32 s10, $0x1;
	s10 =	sld [smem:$0x3FB8];
	_ =	sdelay $0x3  }
0x37: {  	[smem:$0x3FB8] =	sst s10  }
0x38: {  	s10 =	sld [smem:$0x3FB9]  }
0x39: {  	_ = 	snop;
	(pc) =	sbr.ind lr, $3  }
0x3a: {  	_ = 	snop  }
0x3b: {  	_ = 	snop  }
0x3c: {  	p2 =	seq.s32 s10, $0x1;
	s10 =	sld [smem:$0x3FB8]  }
0x3d: {  	_ =	shalt  }
0x3e: {  	_ =	shalt  }
0x3f: {  	_ =	shalt  }
0x40: {  	_ =	shalt  }
0x41: {  	_ =	shalt  }
0x42: {  	_ =	shalt  }
0x43: {  	_ =	shalt  }
0x44: {  	_ =	shalt  }
0x45: {  	_ =	shalt  }
0x46: {  	_ =	shalt  }
0x47: {  	_ =	shalt  }
0x48: {  	_ =	shalt  }
0x49: {  	_ =	shalt  }
0x4a: {  	_ =	shalt  }
0x4b: {  	_ =	shalt  }
0x4c: {  	_ =	shalt  }
0x4d: {  	_ =	shalt  }
0x4e: {  	_ =	shalt  }
0x4f: {  	_ =	shalt  }
0x50: {  	_ =	shalt  }
0x51: {  	_ =	shalt  }
0x52: {  	_ =	shalt  }
0x53: {  	_ =	shalt  }
0x54: {  	_ =	shalt  }
0x55: {  	_ =	shalt  }
0x56: {  	_ =	shalt  }
0x57: {  	_ =	shalt  }
0x58: {  	_ =	shalt  }
0x59: {  	_ =	shalt  }
0x5a: {  	_ =	shalt  }
0x5b: {  	_ =	shalt  }
0x5c: {  	_ =	shalt  }
0x5d: {  	_ =	shalt  }
0x5e: {  	_ =	shalt  }
0x5f: {  	_ =	shalt  }
0x60: {  	_ =	shalt  }
0x61: {  	_ =	shalt  }
0x62: {  	_ =	shalt  }
0x63: {  	_ =	shalt  }
0x64: {  	_ =	shalt  }
0x65: {  	_ =	shalt  }
0x66: {  	_ =	shalt  }
0x67: {  	_ =	shalt  }
0x68: {  	_ =	shalt  }
0x69: {  	_ =	shalt  }
0x6a: {  	_ =	shalt  }
0x6b: {  	_ =	shalt  }
0x6c: {  	_ =	shalt  }
0x6d: {  	_ =	shalt  }
0x6e: {  	_ =	shalt  }
0x6f: {  	_ =	shalt  }
0x70: {  	_ =	shalt  }
0x71: {  	_ =	shalt  }
0x72: {  	_ =	shalt  }
0x73: {  	_ =	shalt  }
0x74: {  	_ =	shalt  }
0x75: {  	_ =	shalt  }
0x76: {  	_ =	shalt  }
0x77: {  	_ =	shalt  }
0x78: {  	_ =	shalt  }
0x79: {  	_ =	shalt  }
0x7a: {  	_ =	shalt  }
0x7b: {  	_ =	shalt  }
0x7c: {  	_ =	shalt  }
0x7d: {  	_ =	shalt  }
0x7e: {  	_ =	shalt  }
0x7f: {  	_ =	shalt  }
0x80: {  	_ =	shalt  }
0x81: {  	_ =	shalt  }
0x82: {  	_ =	shalt  }
0x83: {  	_ =	shalt  }
0x84: {  	_ =	shalt  }
0x85: {  	_ =	shalt  }
0x86: {  	_ =	shalt  }
0x87: {  	_ =	shalt  }
.Lfunc_end0:
.L_simem_size_0:
called_computation.3_lowered:
.L_overlay_start_0:
0x88: {  	s2 =	sld [smem:$0x3FD9]  }
0x89: {  	s3 =	sld [smem:$0x3FFE];
	_ =	sdelay $0x1  }
0x8a: {  	s1 =	srdreg.scid  }
0x8b: {  	s0 =	sand.u32 $0x1, s1  }
0x8c: {  	s16 =	sshll.u32 s0, $0xA;
	s2 =	sadd.s32 s3, s2  }
0x8d: {  	s2 =	sadd.s32 s2, s16  }
0x8e: {  	[smem:$0x3FC4] =	sst s2  }
0x8f: {  	_ = 	snop  }
0x90: {  	(tm) =	ssettm $0x1  }
0x91: {  	s17 =	sld [smem:$0x3FFB];
	_ =	sdelay $0x3  }
0x92: {  	_ =	strace s17  }
0x93: {  	s2 =	sld [smem:$0x3FFC];
	_ =	sdelay $0x3  }
0x94: {  	_ =	strace s2  }
0x95: {  	s2 =	sld [smem:$0x3FFD];
	_ =	sdelay $0x3  }
0x96: {  	_ =	strace s2  }
0x97: {  	_ =	strace $0x8FFFFFFF  }
0x98: {  	s18 =	sld [smem:$0x3FDB];
	_ =	sdelay $0x1  }
0x99: {  	s19 =	simm.s32 $_scs_section_size  }
0x9a: {  	s4 =	simm.s32 $_size__tile_overlayer_lowered;
	s5 =	simm.s32 $_tile_overlayer_lowered  }
0x9b: {  	s22 =	simm.s32 $0x1BFF;
	s21 =	sshll.u32 s5, $0x1;
	s2 =	sadd.s32 s19, s18  }
0x9c: {  	s6 =	simm.s32 $0x0;
	s20 =	sshll.u32 s4, $0x1;
	s4 =	sadd.s32 s21, s2  }
0x9d: {  	[timem:s6], [sflag:s22] =	dma.local [hbm:s4], s20  }
0x9e: {  	_ =	swait.ge [sflag:s22], s20  }
0x9f: {  	s3 =	ssub.s32 $0x0, s20;
	[sflag:s22] =	ssyncset.done $0x0  }
0xa0: {  	[sflag:s22] =	ssyncadd.s32 s3;
	_ =	sdelay $0x1  }
0xa1: {  	s23 =	simm.s32 $0x1B8B  }
0xa2: {  	_ =	swait.ge [sflag:s23], $0x1  }
0xa3: {  	[sflag:s23] =	ssyncset.done $0x0  }
0xa4: {  	s25 =	simm.s32 $0x1B8E;
	s24 =	sld [smem:$0x3FFE];
	[sflag:s23] =	ssyncadd.s32 $0xFFFFFFFF  }
0xa5: {  	s26 =	simm.s32 $execute0_lowered;
	[smem:$0x3FD2] =	sst s25  }
0xa6: {  	s4 =	sshll.u32 s26, $0x1;
	_ =	strace $0x8000004C;
	[dreg:$0x1] =	wrdreg $0xFFFFFFFF  }
0xa7: {  	s28 =	simm.s32 $_size_execute0_lowered;
	s2 =	sadd.s32 s2, s4;
	[dreg:$0x0] =	wrdreg $0x0  }
0xa8: {  	s4 =	sshll.u32 s28, $0x1;
	[dreg:$0x2] =	wrdreg s2  }
0xa9: {  	[dreg:$0x3] =	wrdreg s4  }
0xaa: {  	[dreg:$0x4] =	wrdreg $0xC0  }
0xab: {  	_ =	task [dreg:s6], $0x5FFFF  }
0xac: {  	[dreg:$0x1] =	wrdreg $0xFFFFFFFF  }
0xad: {  	[dreg:$0x0] =	wrdreg $0x60  }
0xae: {  	[dreg:$0x2] =	wrdreg s24  }
0xaf: {  	[dreg:$0x3] =	wrdreg $0x9  }
0xb0: {  	_ =	task.clear_ibuf [dreg:s6], $0x4FFFF;
	_ =	strace $0x9000004C  }
0xb1: {  	s29 =	simm.s32 $0x9;
	_ =	strace $0x8000004E  }
0xb2: {  	_ =	swait.ge [sflag:s29], $0x1  }
0xb3: {  	[sflag:s29] =	ssyncadd.s32 $0xFFFFFFFF  }
0xb4: {  	_ =	strace $0x9000004E  }
0xb5: {  	_ =	sfence  }
0xb6: {  	s30 =	sld [smem:$0x0];
	_ =	sdelay $0x2  }
0xb7: {  	s31 =	sshll.u32 s1, $0xD;
	s1 =	sshrl.u32 s1, $0x2  }
0xb8: {  	s3 =	sand.u32 $0x4000, s31;
	s1 =	sadd.s32 s1, s30  }
0xb9: {  	s0 =	sor.u32 s3, s0;
	s1 =	sshll.u32 s1, $0x11  }
0xba: {  	s0 =	sor.u32 s1, s0  }
0xbb: {  	s0 =	sadd.s32 $0x8F2B, s0  }
0xbc: {  	[sflag:s0] =	ssyncadd.remote.s32 $0x1  }
0xbd: {  	_ =	sfence.sel $0xFFFF  }
0xbe: {  	[dreg:$0x0] =	wrdreg $0xFFFFFFFF;
	(pc) =	sbr.abs _section_cstart, $3  }
0xbf: {  	[dreg:$0x1] =	wrdreg $0xFFFFFFFF  }
0xc0: {  	_ =	task.clear_ibuf [dreg:s6], $0x2FFFF;
	_ =	strace $0x9FFFFFFF  }
0xc1: {  	(tm) =	ssettm $0x7FFFFFFF  }
tec
execute0_lowered:
.L_overlay_start_1:
0x0: {  	(tag) =	ssettag $0x1  }
0x1: {  	s1 =	srdreg.scid  }
0x2: {  	s0 =	stileid.u32;
	s8 =	rddreg [dreg:$0x0];
	s5 =	simm.s32 $0x1  }
0x3: {  	s9 =	simm.s32 $0x1;
	s10 =	simm.s32 $0x3;
	s1 =	sshll.u32 s1, $0x5  }
0x4: {  	s13 =	simm.s32 $0x0;
	s2 =	sshll.u32 s0, $0x6;
	s3 =	sand.u32 $0x20, s1  }
0x5: {  	s12 =	simm.s32 $0x0;
	s4 =	sadd.s32 $0x4D000, s8;
	s2 =	sor.u32 s2, s3  }
0x6: {  	s1 =	rddreg [dreg:$0x1];
	_ =	strace $0x8000004D;
	s7 =	ssub.s32 $0x500, s2  }
.Ltmp0:
0x7: {  	s3 =	sadd.s32 $0x200, s8;
	s6 =	sand.u32 $0x3E0, s7;
	(pc) =	sbr.rel .LBB2_1-.Ltmp0, $4  }
0x8: {  	[sflag:s5] =	ssyncpa.u1 $0x0;
	s8 =	sadd.s32 $0x4C200, s8;
	p0 =	sne.s32 s6, $0x0  }
0x9: {  	s7 =	sshrl.u32 s7, $0xA;
	s6 =	simm.s32 $0x2;
	s9 =	simm.s32 @!p0 $0x0  }
0xa: {  	s11 =	smov.u32 s2;
	[sflag:s6] =	ssyncpa.u1 $0x0;
	s7 =	sadd.s32 s9, s7  }
0xb: {  	vm0 =	vmmov $0xffff;
	[sflag:s10] =	ssyncpa.u1 $0x0;
	s10 =	simm.s32 $0x0;
	s9 =	sadd.s32 $0x1, s7  }
.LBB2_5:
0xc: {  	s15 =	sadd.s32 $0x400, s11  }
0xd: {  	p1 =	sgt.s32 s15, $0x4FF  }
0xe: {  	s15 =	smov.u32 @p1 s2;
	p1 =	sne.s32 s12, s9  }
.Ltmp1:
0xf: {  	p0 =	slt.u32 s12, $0x2;
	(pc) =	sbr.rel @!p1 .LBB2_6-.Ltmp1, $4  }
0x10: {  	s14 =	simm.s32 @!p0 $0x3  }
0x11: {  	_ =	swait.ge @!p0 [sflag:s14], $0x20  }
0x12: {  	s16 =	sadd.s32 $0x1, s12;
	s13 =	smov.u32 s11;
	[sflag:s14] =	ssyncset.done @!p0 $0x0  }
0x13: {  	s12 =	smov.u32 s16;
	s11 =	smov.u32 s15;
	[sflag:s14] =	ssyncadd.s32 @!p0 $0xFFFFFFE0  }
.LBB2_1:
0x14: {  	p0 =	sge.u32 s12, s7  }
0x15: {  	s14 =	sxor.u32 @!p0 $0xFFFFFFFF, s12  }
0x16: {  	s31 =	sadd.s32 $0xFFFFFFFF, s12;
	s15 =	sshrl.u32 @!p0 s11, $0x3;
	s14 =	sshll.u32 @!p0 s14, $0x5  }
0x17: {  	s16 =	sand.u32 @!p0 $0x7, s11;
	s15 =	sadd.s32 @!p0 s4, s15;
	s14 =	sand.u32 @!p0 $0x20, s14  }
0x18: {  	[tilespmem:s14], [sflag:$0x2] =	stream.linear.gather @!p0 [hbm4b:s15+s16], $0x20, $0x38;
	[tilespmem:$0x80] =	vst v63  }
0x19: {  	p0 =	sge.u32 s31, s7  }
.Ltmp2:
0x1a: {  	_ = 	snop;
	(pc) =	sbr.rel @p0 .LBB2_5-.Ltmp2, $1  }
0x1b: {  	_ =	sdelay $0x3  }
0x1c: {  	_ =	swait.ge [sflag:s6], $0x20;
	s14 =	sshll.u32 s12, $0x5;
	s16 =	simm.s32 $0x0  }
0x1d: {  	p0 =	por $0x1, $0x1;
	[sflag:s6] =	ssyncset.done $0x0;
	s15 =	sand.u32 $0x20, s14  }
0x1e: {  	[sflag:s6] =	ssyncadd.s32 $0xFFFFFFE0;
	(ifvalue) =	ssetifvalue $0x7FFFFFFF;
	s14 =	sor.u32 $0x40, s15  }
.LBB2_3:
0x1f: {  	s17 =	sadd.s32 s16, s15  }
0x20: {  	v0 =	vld.msk [tilespmem:s17+$0x0 ss:$0x1], $0xffff;
	_ =	sdelay $0x4  }
0x21: {  	vm1 =	veq.s32 v0, $0x80000000;
	v1 =	vand.u32 $0x3F, v0;
	v2 =	vshll.u32 v0, $0x1  }
0x22: {  	v0 =	vshrl.u32 v0, $0xF;
	v1 =	vmul.u32 $0x9800, v1;
	v2 =	vand.u32 $0xFF80, v2  }
0x23: {  	v0 =	vand.u32 $0x1F, v0;
	v2 =	vsel vm1, $0xFFFFFF80, v2  }
0x24: {  	v0 =	vsel vm1, $0xFFFFFFFF, v0;
	v1 =	vsel vm1, $0xFFFF6800, v1;
	v3 =	vand.u32 $0xFFFFFC00, v2  }
0x25: {  	v63 =	vand.u32 $0xFFFFFC00, v0;
	v1 =	vadd.s32 v1, v3  }
0x26: {  	v2 =	vand.u32 $0x380, v2;
	v1 =	vadd.s32 v63, v1  }
0x27: {  	v0 =	vand.u32 $0x7F, v0;
	v1 =	vor.u32 v2, v1  }
0x28: {  	p1 =	por p0, p0;
	v0 =	vor.u32 v0, v1  }
.Ltmp3:
0x29: {  	_ = 	snop;
	(pc) =	sbr.rel @p1 .LBB2_3-.Ltmp3, $4  }
0x2a: {  	_ = 	snop  }
0x2b: {  	s31 =	sadd.s32 s16, s14  }
0x2c: {  	s16 =	simm.s32 $0x10;
	p0 =	por $0x0, $0x0;
	(ifvalue) =	ssetifvalue $0x7FFFFFFF  }
0x2d: {  	[tilespmem:s31], [sflag:$0x1] =	stream.indirect_vreg.gather [hbm4b:s3+s10], $0x1, v0, vm0, $0x4038;
	[tilespmem:$0x80] =	vst v63  }
.Ltmp4:
0x2e: {  	(pc) =	sbr.rel .LBB2_5-.Ltmp4, $4  }
0x2f: {  	_ =	swait.ge [sflag:s5], $0x20  }
0x30: {  	s15 =	sshrl.u32 s13, $0x3;
	[sflag:s5] =	ssyncset.done $0x0  }
0x31: {  	s31 =	sand.u32 $0x7, s13;
	s15 =	sadd.s32 s8, s15;
	[sflag:s5] =	ssyncadd.s32 $0xFFFFFFE0  }
0x32: {  	[hbm4b:s15+s31] =	stream.linear.scatter [tilespmem:s14], [sflag:$0x3], $0x20, $0x38;
	[tilespmem:$0x80] =	vst v63  }
.LBB2_6:
0x33: {  	_ =	sfence.sel $0x180000  }
0x34: {  	s2 =	simm.s32 $0x2;
	[bflag:$0x0] =	sbarrier.arrive $0xFFFF  }
0x35: {  	s30 =	simm.s32 $0x3;
	[sflag:s2] =	ssyncpa.u1 $0x1  }
0x36: {  	s31 =	simm.s32 $0x1;
	[sflag:s30] =	ssyncpa.u1 $0x1  }
0x37: {  	[sflag:s31] =	ssyncpa.u1 $0x1  }
0x38: {  	p0 =	sne.s32 s0, $0x0;
	_ =	strace $0x9000004D  }
0x39: {  	s0 =	sadd.s32 @!p0 $0x100000, s1;
	[bflag:$0x2] =	sbarrier.arrive $0xFFFF  }
0x3a: {  	[sflag:s0] =	ssyncadd.tile.s32 @!p0 $0x1;
	_ =	shalt  }
.Lfunc_end2:
_tile_overlayer_lowered:
.L_overlay_start_2:
0x3b: {  	(tag) =	ssettag $0x2  }
0x3c: {  	s0 =	rddreg [dreg:$0x0];
	s2 =	stileid.u32  }
0x3d: {  	s1 =	rddreg [dreg:$0x1];
	p0 =	sne.s32 s2, $0x0  }
0x3e: {  	s3 =	rddreg [dreg:$0x2];
	[bflag:$0x3] =	sbarrier.arrive $0xFFFF;
	s2 =	simm.s32 @!p0 $0x1C01  }
0x3f: {  	[timem:s3], [sflag:s2] =	dma.local @!p0 [hbm:s0], s1  }
0x40: {  	s0 =	simm.s32 @!p0 $0x1  }
0x41: {  	_ =	swait.ge @!p0 [sflag:s0], s1  }
0x42: {  	s1 =	ssub.s32 @!p0 $0x0, s1;
	[sflag:s0] =	ssyncset.done @!p0 $0x0  }
0x43: {  	[sflag:s0] =	ssyncadd.s32 @!p0 s1  }
0x44: {  	[bflag:$0x3] =	sbarrier.arrive $0xFFFF  }
0x45: {  	_ =	shalt  }

// kernel: gather_offload_async_start
scs
__scs_entry_jumppad:
0x0: {  	(pc) =	sbr.rel $0x88, $3  }
0x1: {  	(tag) =	ssettag $0x0;
	lr =	simm.s32 $0x1  }
0x2: {  	[smem:$0x3F9D] =	sst lr;
	_ =	strace $0xD0000000  }
0x3: {  	_ = 	snop  }
0x4: {  	_ = 	snop  }
0x5: {  	_ = 	snop  }
0x6: {  	_ = 	snop  }
0x7: {  	_ = 	snop  }
__scs_overlays_trampoline_lowered:
0x8: {  	[smem:$0x3FAC] =	sst s0  }
0x9: {  	[smem:$0x3FAD] =	sst s1  }
0xa: {  	[smem:$0x3FAE] =	sst s2  }
0xb: {  	[smem:$0x3FAF] =	sst s3  }
0xc: {  	[smem:$0x3FB0] =	sst s4  }
0xd: {  	[smem:$0x3FB1] =	sst s5  }
0xe: {  	[smem:$0x3FB2] =	sst s6  }
0xf: {  	[smem:$0x3FB3] =	sst s7  }
0x10: {  	[smem:$0x3FB4] =	sst s8  }
0x11: {  	[smem:$0x3FB5] =	sst s9;
	s0 =	simm.s32 @!p0 $0x0  }
0x12: {  	s1 =	sld [smem:$0x3F9B];
	s0 =	simm.s32 @p0 $0x1  }
0x13: {  	[smem:$0x3FB6] =	sst s0;
	s0 =	simm.s32 @!p1 $0x0  }
0x14: {  	s2 =	sld [smem:$0x3F9A];
	s0 =	simm.s32 @p1 $0x1  }
0x15: {  	[smem:$0x3FB7] =	sst s0;
	s0 =	simm.s32 @!p2 $0x0  }
0x16: {  	s3 =	sld [smem:$0x3FDB];
	s0 =	simm.s32 @p2 $0x1  }
0x17: {  	s4 =	simm.s32 $0x1BF5;
	[smem:$0x3FB9] =	sst s0  }
0x18: {  	s0 =	sld [smem:$0x3F9C];
	_ =	swait.ge [sflag:s4], $0x0  }
0x19: {  	s7 =	sld [smem:$0x3F9D]  }
0x1a: {  	s8 =	sadd.s32 $0xFFFFE003, lr  }
0x1b: {  	s9 =	sadd.s32 $0xFFFFFEF7, lr;
	s5 =	simm.s32 $0xFFFFFFFF;
	p2 =	slt.u32 s8, $0xFFFFF086  }
0x1c: {  	p1 =	slt.u32 s9, $0xF7A;
	s5 =	simm.s32 @!p2 $0x0  }
0x1d: {  	s5 =	simm.s32 @p1 $0x1;
	p0 =	seq.s32 s7, s2  }
0x1e: {  	s7 =	smul.u32 @!p0 $0xF7A, s2;
	p2 =	seq.s32 @!p0 s5, $0x0  }
0x1f: {  	s9 =	smul.u32 $0xF7A, s1;
	s8 =	simm.s32 @!p0 $0x1BF5;
	p2 =	por !p2, p0  }
0x20: {  	[sflag:s8] =	ssyncset.s32 @!p0 $0xFFFFF086;
	s6 =	sadd.s32 @!p0 s3, s7;
	s7 =	simm.s32 @!p0 $0x108  }
0x21: {  	s3 =	sadd.s32 s3, s9;
	s6 =	sadd.s32 @!p0 $0x88, s6;
	s7 =	simm.s32 @p2 $0x1082  }
0x22: {  	[simem:s7], [sflag:s8] =	dma.local @!p0 [hbm:s6], $0xF7A  }
0x23: {  	s9 =	sor.u32 $0xD0000000, s2;
	s6 =	simm.s32 $0x108;
	_ =	swait.ge @!p0 [sflag:s8], $0x0  }
0x24: {  	s3 =	sadd.s32 $0x88, s3;
	s6 =	simm.s32 @!p1 $0x1082;
	[sflag:s4] =	ssyncset.s32 $0xFFFFF086  }
0x25: {  	[simem:s6], [sflag:s4] =	dma.local [hbm:s3], $0xF7A  }
0x26: {  	[smem:$0x3F9D] =	sst s1;
	(tag) =	ssettag s2;
	_ =	strace s9  }
0x27: {  	s1 =	sld [smem:$0x3FAD]  }
0x28: {  	s2 =	sld [smem:$0x3FAE]  }
0x29: {  	s4 =	sld [smem:$0x3FB0]  }
0x2a: {  	p0 =	seq.s32 s5, $0x0;
	s5 =	sld [smem:$0x3FB1]  }
0x2b: {  	s6 =	sld [smem:$0x3FB2]  }
0x2c: {  	s7 =	sld [smem:$0x3FB3]  }
0x2d: {  	s3 =	simm.s32 $0x108;
	s8 =	sld [smem:$0x3FB4]  }
0x2e: {  	s3 =	simm.s32 @!p0 $0x1082;
	s9 =	sld [smem:$0x3FB5]  }
0x2f: {  	lr =	sadd.s32 s0, s3;
	s0 =	sld [smem:$0x3FAC]  }
0x30: {  	s3 =	sld [smem:$0x3FAF]  }
0x31: {  	[smem:$0x3FB8] =	sst s10  }
0x32: {  	s10 =	sld [smem:$0x3FB6];
	_ =	sdelay $0x3  }
0x33: {  	p0 =	seq.s32 s10, $0x1;
	s10 =	sld [smem:$0x3FB8];
	_ =	sdelay $0x3  }
0x34: {  	[smem:$0x3FB8] =	sst s10  }
0x35: {  	s10 =	sld [smem:$0x3FB7];
	_ =	sdelay $0x3  }
0x36: {  	p1 =	seq.s32 s10, $0x1;
	s10 =	sld [smem:$0x3FB8];
	_ =	sdelay $0x3  }
0x37: {  	[smem:$0x3FB8] =	sst s10  }
0x38: {  	s10 =	sld [smem:$0x3FB9]  }
0x39: {  	_ = 	snop;
	(pc) =	sbr.ind lr, $3  }
0x3a: {  	_ = 	snop  }
0x3b: {  	_ = 	snop  }
0x3c: {  	p2 =	seq.s32 s10, $0x1;
	s10 =	sld [smem:$0x3FB8]  }
0x3d: {  	_ =	shalt  }
0x3e: {  	_ =	shalt  }
0x3f: {  	_ =	shalt  }
0x40: {  	_ =	shalt  }
0x41: {  	_ =	shalt  }
0x42: {  	_ =	shalt  }
0x43: {  	_ =	shalt  }
0x44: {  	_ =	shalt  }
0x45: {  	_ =	shalt  }
0x46: {  	_ =	shalt  }
0x47: {  	_ =	shalt  }
0x48: {  	_ =	shalt  }
0x49: {  	_ =	shalt  }
0x4a: {  	_ =	shalt  }
0x4b: {  	_ =	shalt  }
0x4c: {  	_ =	shalt  }
0x4d: {  	_ =	shalt  }
0x4e: {  	_ =	shalt  }
0x4f: {  	_ =	shalt  }
0x50: {  	_ =	shalt  }
0x51: {  	_ =	shalt  }
0x52: {  	_ =	shalt  }
0x53: {  	_ =	shalt  }
0x54: {  	_ =	shalt  }
0x55: {  	_ =	shalt  }
0x56: {  	_ =	shalt  }
0x57: {  	_ =	shalt  }
0x58: {  	_ =	shalt  }
0x59: {  	_ =	shalt  }
0x5a: {  	_ =	shalt  }
0x5b: {  	_ =	shalt  }
0x5c: {  	_ =	shalt  }
0x5d: {  	_ =	shalt  }
0x5e: {  	_ =	shalt  }
0x5f: {  	_ =	shalt  }
0x60: {  	_ =	shalt  }
0x61: {  	_ =	shalt  }
0x62: {  	_ =	shalt  }
0x63: {  	_ =	shalt  }
0x64: {  	_ =	shalt  }
0x65: {  	_ =	shalt  }
0x66: {  	_ =	shalt  }
0x67: {  	_ =	shalt  }
0x68: {  	_ =	shalt  }
0x69: {  	_ =	shalt  }
0x6a: {  	_ =	shalt  }
0x6b: {  	_ =	shalt  }
0x6c: {  	_ =	shalt  }
0x6d: {  	_ =	shalt  }
0x6e: {  	_ =	shalt  }
0x6f: {  	_ =	shalt  }
0x70: {  	_ =	shalt  }
0x71: {  	_ =	shalt  }
0x72: {  	_ =	shalt  }
0x73: {  	_ =	shalt  }
0x74: {  	_ =	shalt  }
0x75: {  	_ =	shalt  }
0x76: {  	_ =	shalt  }
0x77: {  	_ =	shalt  }
0x78: {  	_ =	shalt  }
0x79: {  	_ =	shalt  }
0x7a: {  	_ =	shalt  }
0x7b: {  	_ =	shalt  }
0x7c: {  	_ =	shalt  }
0x7d: {  	_ =	shalt  }
0x7e: {  	_ =	shalt  }
0x7f: {  	_ =	shalt  }
0x80: {  	_ =	shalt  }
0x81: {  	_ =	shalt  }
0x82: {  	_ =	shalt  }
0x83: {  	_ =	shalt  }
0x84: {  	_ =	shalt  }
0x85: {  	_ =	shalt  }
0x86: {  	_ =	shalt  }
0x87: {  	_ =	shalt  }
.Lfunc_end0:
.L_simem_size_0:
called_computation.1_lowered:
.L_overlay_start_0:
0x88: {  	s2 =	sld [smem:$0x3FD9]  }
0x89: {  	s3 =	sld [smem:$0x3FFE];
	_ =	sdelay $0x1  }
0x8a: {  	s1 =	srdreg.scid  }
0x8b: {  	s0 =	sand.u32 $0x1, s1  }
0x8c: {  	s17 =	sshll.u32 s0, $0xA;
	s2 =	sadd.s32 s3, s2  }
0x8d: {  	s2 =	sadd.s32 s2, s17  }
0x8e: {  	[smem:$0x3FC4] =	sst s2  }
0x8f: {  	_ = 	snop  }
0x90: {  	(tm) =	ssettm $0x1  }
0x91: {  	s18 =	sld [smem:$0x3FFB];
	_ =	sdelay $0x3  }
0x92: {  	_ =	strace s18  }
0x93: {  	s2 =	sld [smem:$0x3FFC];
	_ =	sdelay $0x3  }
0x94: {  	_ =	strace s2  }
0x95: {  	s2 =	sld [smem:$0x3FFD];
	_ =	sdelay $0x3  }
0x96: {  	_ =	strace s2  }
0x97: {  	_ =	strace $0x8FFFFFFF  }
0x98: {  	s19 =	sld [smem:$0x3FDB];
	_ =	sdelay $0x1  }
0x99: {  	s20 =	simm.s32 $_scs_section_size  }
0x9a: {  	s4 =	simm.s32 $_size__tile_overlayer_lowered;
	s5 =	simm.s32 $_tile_overlayer_lowered  }
0x9b: {  	s6 =	simm.s32 $0x1BFF;
	s21 =	sshll.u32 s5, $0x1;
	s3 =	sadd.s32 s20, s19  }
0x9c: {  	s22 =	simm.s32 $0x0;
	s4 =	sshll.u32 s4, $0x1;
	s5 =	sadd.s32 s21, s3  }
0x9d: {  	[timem:s22], [sflag:s6] =	dma.local [hbm:s5], s4  }
0x9e: {  	_ =	swait.ge [sflag:s6], s4  }
0x9f: {  	s4 =	ssub.s32 $0x0, s4;
	[sflag:s6] =	ssyncset.done $0x0  }
0xa0: {  	[sflag:s6] =	ssyncadd.s32 s4;
	_ =	sdelay $0x1  }
0xa1: {  	s23 =	simm.s32 $0x1B8B  }
0xa2: {  	_ =	swait.ge [sflag:s23], $0x1  }
0xa3: {  	[sflag:s23] =	ssyncset.done $0x0  }
0xa4: {  	[sflag:s23] =	ssyncadd.s32 $0xFFFFFFFF  }
0xa5: {  	s4 =	sld [smem:$0x0]  }
0xa6: {  	s5 =	sand.u32 $0xFFFFFFFE, s1  }
0xa7: {  	p0 =	sne.s32 s1, s5  }
0xa8: {  	s5 =	sshll.u32 @p0 s5, $0xE  }
0xa9: {  	s5 =	sadd.s32 @p0 $0x11B8D, s5;
	s6 =	sshll.u32 @p0 s4, $0x11  }
0xaa: {  	s5 =	sor.u32 @p0 s6, s5  }
0xab: {  	[sflag:s5] =	ssyncadd.remote.s32 @p0 $0x1;
	_ =	sdelay $0x1  }
0xac: {  	s5 =	simm.s32 @p0 $0x1B8D  }
0xad: {  	_ =	swait.eq @p0 [sflag:s5], $0x1  }
0xae: {  	[sflag:s5] =	ssyncadd.s32 @p0 $0xFFFFFFFF  }
0xaf: {  	s6 =	sshll.u32 @!p0 s1, $0xE  }
0xb0: {  	s6 =	sor.u32 @!p0 $0x4000, s6;
	s5 =	simm.s32 @!p0 $0x1B8D  }
0xb1: {  	s4 =	sshll.u32 @!p0 s4, $0x11;
	s6 =	sadd.s32 @!p0 $0x11B8D, s6;
	_ =	swait.eq @!p0 [sflag:s5], $0x1  }
0xb2: {  	s4 =	sor.u32 @!p0 s4, s6;
	[sflag:s5] =	ssyncadd.s32 @!p0 $0xFFFFFFFF  }
0xb3: {  	s25 =	simm.s32 $0x1B8E;
	s24 =	sld [smem:$0x3FFE];
	[sflag:s4] =	ssyncadd.remote.s32 @!p0 $0x1  }
0xb4: {  	s26 =	simm.s32 $execute0_lowered;
	[smem:$0x3FD2] =	sst s25  }
0xb5: {  	s5 =	sshll.u32 s26, $0x1;
	_ =	strace $0x80000049;
	[dreg:$0x1] =	wrdreg $0xFFFFFFFF  }
0xb6: {  	s28 =	simm.s32 $_size_execute0_lowered;
	s3 =	sadd.s32 s3, s5;
	[dreg:$0x0] =	wrdreg $0x0  }
0xb7: {  	s5 =	sshll.u32 s28, $0x1;
	[dreg:$0x2] =	wrdreg s3  }
0xb8: {  	[dreg:$0x3] =	wrdreg s5  }
0xb9: {  	[dreg:$0x4] =	wrdreg $0xC0  }
0xba: {  	_ =	task [dreg:s22], $0x5FFFF  }
0xbb: {  	[dreg:$0x1] =	wrdreg $0xFFFFFFFF  }
0xbc: {  	[dreg:$0x0] =	wrdreg $0x60  }
0xbd: {  	[dreg:$0x2] =	wrdreg s24  }
0xbe: {  	[dreg:$0x3] =	wrdreg $0x9  }
0xbf: {  	_ =	task.clear_ibuf [dreg:s22], $0x4FFFF;
	_ =	strace $0x90000049  }
0xc0: {  	s29 =	simm.s32 $0x9;
	_ =	strace $0x8000004B  }
0xc1: {  	_ =	swait.ge [sflag:s29], $0x1  }
0xc2: {  	[sflag:s29] =	ssyncadd.s32 $0xFFFFFFFF  }
0xc3: {  	_ =	strace $0x9000004B  }
0xc4: {  	_ =	sfence  }
0xc5: {  	s30 =	sld [smem:$0x0];
	_ =	sdelay $0x2  }
0xc6: {  	s31 =	sshll.u32 s1, $0xD;
	s1 =	sshrl.u32 s1, $0x2  }
0xc7: {  	s4 =	sand.u32 $0x4000, s31;
	s1 =	sadd.s32 s1, s30  }
0xc8: {  	s0 =	sor.u32 s4, s0;
	s1 =	sshll.u32 s1, $0x11  }
0xc9: {  	s0 =	sor.u32 s1, s0  }
0xca: {  	s0 =	sadd.s32 $0x8F2B, s0  }
0xcb: {  	[sflag:s0] =	ssyncadd.remote.s32 $0x1  }
0xcc: {  	_ =	sfence.sel $0xFFFF  }
0xcd: {  	[dreg:$0x0] =	wrdreg $0xFFFFFFFF;
	(pc) =	sbr.abs _section_cstart, $3  }
0xce: {  	[dreg:$0x1] =	wrdreg $0xFFFFFFFF  }
0xcf: {  	_ =	task.clear_ibuf [dreg:s22], $0x2FFFF;
	_ =	strace $0x9FFFFFFF  }
0xd0: {  	(tm) =	ssettm $0x7FFFFFFF  }
0xd1: {  	_ =	shalt  }
tec
execute0_lowered:
.L_overlay_start_1:
0x0: {  	(tag) =	ssettag $0x1  }
0x1: {  	s0 =	srdreg.scid  }
0x2: {  	s8 =	rddreg [dreg:$0x0];
	s1 =	stileid.u32;
	s5 =	simm.s32 $0x1  }
0x3: {  	s9 =	simm.s32 $0x1;
	s10 =	simm.s32 $0x3;
	s2 =	sshll.u32 s0, $0x5  }
0x4: {  	s13 =	simm.s32 $0x0;
	s3 =	sshll.u32 s1, $0x6;
	s2 =	sand.u32 $0x20, s2  }
0x5: {  	s12 =	simm.s32 $0x0;
	s0 =	rddreg [dreg:$0x1];
	s2 =	sor.u32 s3, s2  }
0x6: {  	_ =	strace $0x8000004A;
	s4 =	sadd.s32 $0x4D000, s8;
	s7 =	ssub.s32 $0x500, s2  }
.Ltmp0:
0x7: {  	[sflag:s5] =	ssyncpa.u1 $0x0;
	s6 =	sand.u32 $0x3E0, s7;
	(pc) =	sbr.rel .LBB2_1-.Ltmp0, $4  }
0x8: {  	s3 =	sadd.s32 $0x344200, s8;
	s8 =	sadd.s32 $0x4D400, s8;
	p0 =	sne.s32 s6, $0x0  }
0x9: {  	s7 =	sshrl.u32 s7, $0xA;
	s6 =	simm.s32 $0x2;
	s9 =	simm.s32 @!p0 $0x0  }
0xa: {  	s11 =	smov.u32 s2;
	[sflag:s6] =	ssyncpa.u1 $0x0;
	s7 =	sadd.s32 s9, s7  }
0xb: {  	vm0 =	vmmov $0xffff;
	[sflag:s10] =	ssyncpa.u1 $0x0;
	s10 =	simm.s32 $0x0;
	s9 =	sadd.s32 $0x1, s7  }
.LBB2_5:
0xc: {  	s15 =	sadd.s32 $0x400, s11  }
0xd: {  	p1 =	sgt.s32 s15, $0x4FF  }
0xe: {  	s15 =	smov.u32 @p1 s2;
	p1 =	sne.s32 s12, s9  }
.Ltmp1:
0xf: {  	p0 =	slt.u32 s12, $0x2;
	(pc) =	sbr.rel @!p1 .LBB2_6-.Ltmp1, $4  }
0x10: {  	s14 =	simm.s32 @!p0 $0x3  }
0x11: {  	_ =	swait.ge @!p0 [sflag:s14], $0x20  }
0x12: {  	s16 =	sadd.s32 $0x1, s12;
	s13 =	smov.u32 s11;
	[sflag:s14] =	ssyncset.done @!p0 $0x0  }
0x13: {  	s12 =	smov.u32 s16;
	s11 =	smov.u32 s15;
	[sflag:s14] =	ssyncadd.s32 @!p0 $0xFFFFFFE0  }
.LBB2_1:
0x14: {  	p0 =	sge.u32 s12, s7  }
0x15: {  	s14 =	sxor.u32 @!p0 $0xFFFFFFFF, s12  }
0x16: {  	s31 =	sadd.s32 $0xFFFFFFFF, s12;
	s15 =	sshrl.u32 @!p0 s11, $0x3;
	s14 =	sshll.u32 @!p0 s14, $0x5  }
0x17: {  	s16 =	sand.u32 @!p0 $0x7, s11;
	s15 =	sadd.s32 @!p0 s4, s15;
	s14 =	sand.u32 @!p0 $0x20, s14  }
0x18: {  	[tilespmem:s14], [sflag:$0x2] =	stream.linear.gather @!p0 [hbm4b:s15+s16], $0x20, $0x38;
	[tilespmem:$0x80] =	vst v63  }
0x19: {  	p0 =	sge.u32 s31, s7  }
.Ltmp2:
0x1a: {  	_ = 	snop;
	(pc) =	sbr.rel @p0 .LBB2_5-.Ltmp2, $1  }
0x1b: {  	_ =	sdelay $0x3  }
0x1c: {  	_ =	swait.ge [sflag:s6], $0x20;
	s14 =	sshll.u32 s12, $0x5;
	s16 =	simm.s32 $0x0  }
0x1d: {  	p0 =	por $0x1, $0x1;
	[sflag:s6] =	ssyncset.done $0x0;
	s15 =	sand.u32 $0x20, s14  }
0x1e: {  	[sflag:s6] =	ssyncadd.s32 $0xFFFFFFE0;
	(ifvalue) =	ssetifvalue $0x7FFFFFFF;
	s14 =	sor.u32 $0x40, s15  }
.LBB2_3:
0x1f: {  	s17 =	sadd.s32 s16, s15  }
0x20: {  	v0 =	vld.msk [tilespmem:s17+$0x0 ss:$0x1], $0xffff;
	_ =	sdelay $0x4  }
0x21: {  	vm1 =	veq.s32 v0, $0x80000000;
	v1 =	vand.u32 $0x3F, v0;
	v2 =	vshll.u32 v0, $0x1  }
0x22: {  	v0 =	vshrl.u32 v0, $0xF;
	v1 =	vmul.u32 $0x9800, v1;
	v2 =	vand.u32 $0xFF80, v2  }
0x23: {  	v0 =	vand.u32 $0x1F, v0;
	v2 =	vsel vm1, $0xFFFFFF80, v2  }
0x24: {  	v0 =	vsel vm1, $0xFFFFFFFF, v0;
	v1 =	vsel vm1, $0xFFFF6800, v1;
	v3 =	vand.u32 $0xFFFFFC00, v2  }
0x25: {  	v63 =	vand.u32 $0xFFFFFC00, v0;
	v1 =	vadd.s32 v1, v3  }
0x26: {  	v2 =	vand.u32 $0x380, v2;
	v1 =	vadd.s32 v63, v1  }
0x27: {  	v0 =	vand.u32 $0x7F, v0;
	v1 =	vor.u32 v2, v1  }
0x28: {  	p1 =	por p0, p0;
	v0 =	vor.u32 v0, v1  }
.Ltmp3:
0x29: {  	_ = 	snop;
	(pc) =	sbr.rel @p1 .LBB2_3-.Ltmp3, $4  }
0x2a: {  	_ = 	snop  }
0x2b: {  	s31 =	sadd.s32 s16, s14  }
0x2c: {  	s16 =	simm.s32 $0x10;
	p0 =	por $0x0, $0x0;
	(ifvalue) =	ssetifvalue $0x7FFFFFFF  }
0x2d: {  	[tilespmem:s31], [sflag:$0x1] =	stream.indirect_vreg.gather [hbm4b:s3+s10], $0x1, v0, vm0, $0x4038;
	[tilespmem:$0x80] =	vst v63  }
.Ltmp4:
0x2e: {  	(pc) =	sbr.rel .LBB2_5-.Ltmp4, $4  }
0x2f: {  	_ =	swait.ge [sflag:s5], $0x20  }
0x30: {  	s15 =	sshrl.u32 s13, $0x3;
	[sflag:s5] =	ssyncset.done $0x0  }
0x31: {  	s31 =	sand.u32 $0x7, s13;
	s15 =	sadd.s32 s8, s15;
	[sflag:s5] =	ssyncadd.s32 $0xFFFFFFE0  }
0x32: {  	[hbm4b:s15+s31] =	stream.linear.scatter [tilespmem:s14], [sflag:$0x3], $0x20, $0x38;
	[tilespmem:$0x80] =	vst v63  }
.LBB2_6:
0x33: {  	_ =	sfence.sel $0x180000  }
0x34: {  	s2 =	simm.s32 $0x2;
	[bflag:$0x0] =	sbarrier.arrive $0xFFFF  }
0x35: {  	s30 =	simm.s32 $0x3;
	[sflag:s2] =	ssyncpa.u1 $0x1  }
0x36: {  	s31 =	simm.s32 $0x1;
	[sflag:s30] =	ssyncpa.u1 $0x1  }
0x37: {  	[sflag:s31] =	ssyncpa.u1 $0x1  }
0x38: {  	p0 =	sne.s32 s1, $0x0;
	_ =	strace $0x9000004A  }
0x39: {  	s0 =	sadd.s32 @!p0 $0x100000, s0;
	[bflag:$0x2] =	sbarrier.arrive $0xFFFF  }
0x3a: {  	[sflag:s0] =	ssyncadd.tile.s32 @!p0 $0x1;
	_ =	shalt  }
.Lfunc_end2:
_tile_overlayer_lowered:
.L_overlay_start_2:
0x3b: {  	(tag) =	ssettag $0x2  }
0x3c: {  	s0 =	rddreg [dreg:$0x0];
	s2 =	stileid.u32  }
0x3d: {  	s1 =	rddreg [dreg:$0x1];
	p0 =	sne.s32 s2, $0x0  }
0x3e: {  	s3 =	rddreg [dreg:$0x2];
	[bflag:$0x3] =	sbarrier.arrive $0xFFFF;
	s2 =	simm.s32 @!p0 $0x1C01  }
0x3f: {  	[timem:s3], [sflag:s2] =	dma.local @!p0 [hbm:s0], s1  }
0x40: {  	s0 =	simm.s32 @!p0 $0x1  }
0x41: {  	_ =	swait.ge @!p0 [sflag:s0], s1  }
0x42: {  	s1 =	ssub.s32 @!p0 $0x0, s1;
	[sflag:s0] =	ssyncset.done @!p0 $0x0  }
0x43: {  	[sflag:s0] =	ssyncadd.s32 @!p0 s1  }
0x44: {  	[bflag:$0x3] =	sbarrier.arrive $0xFFFF  }
0x45: {  	_ =	shalt  }

// kernel: scatter_offload_async_start.2
scs
__scs_entry_jumppad:
0x0: {  	(pc) =	sbr.rel $0x88, $3  }
0x1: {  	(tag) =	ssettag $0x0;
	lr =	simm.s32 $0x1  }
0x2: {  	[smem:$0x3F9D] =	sst lr;
	_ =	strace $0xD0000000  }
0x3: {  	_ = 	snop  }
0x4: {  	_ = 	snop  }
0x5: {  	_ = 	snop  }
0x6: {  	_ = 	snop  }
0x7: {  	_ = 	snop  }
__scs_overlays_trampoline_lowered:
0x8: {  	[smem:$0x3FAC] =	sst s0  }
0x9: {  	[smem:$0x3FAD] =	sst s1  }
0xa: {  	[smem:$0x3FAE] =	sst s2  }
0xb: {  	[smem:$0x3FAF] =	sst s3  }
0xc: {  	[smem:$0x3FB0] =	sst s4  }
0xd: {  	[smem:$0x3FB1] =	sst s5  }
0xe: {  	[smem:$0x3FB2] =	sst s6  }
0xf: {  	[smem:$0x3FB3] =	sst s7  }
0x10: {  	[smem:$0x3FB4] =	sst s8  }
0x11: {  	[smem:$0x3FB5] =	sst s9;
	s0 =	simm.s32 @!p0 $0x0  }
0x12: {  	s1 =	sld [smem:$0x3F9B];
	s0 =	simm.s32 @p0 $0x1  }
0x13: {  	[smem:$0x3FB6] =	sst s0;
	s0 =	simm.s32 @!p1 $0x0  }
0x14: {  	s2 =	sld [smem:$0x3F9A];
	s0 =	simm.s32 @p1 $0x1  }
0x15: {  	[smem:$0x3FB7] =	sst s0;
	s0 =	simm.s32 @!p2 $0x0  }
0x16: {  	s3 =	sld [smem:$0x3FDB];
	s0 =	simm.s32 @p2 $0x1  }
0x17: {  	s4 =	simm.s32 $0x1BF5;
	[smem:$0x3FB9] =	sst s0  }
0x18: {  	s0 =	sld [smem:$0x3F9C];
	_ =	swait.ge [sflag:s4], $0x0  }
0x19: {  	s7 =	sld [smem:$0x3F9D]  }
0x1a: {  	s8 =	sadd.s32 $0xFFFFE003, lr  }
0x1b: {  	s9 =	sadd.s32 $0xFFFFFEF7, lr;
	s5 =	simm.s32 $0xFFFFFFFF;
	p2 =	slt.u32 s8, $0xFFFFF086  }
0x1c: {  	p1 =	slt.u32 s9, $0xF7A;
	s5 =	simm.s32 @!p2 $0x0  }
0x1d: {  	s5 =	simm.s32 @p1 $0x1;
	p0 =	seq.s32 s7, s2  }
0x1e: {  	s7 =	smul.u32 @!p0 $0xF7A, s2;
	p2 =	seq.s32 @!p0 s5, $0x0  }
0x1f: {  	s9 =	smul.u32 $0xF7A, s1;
	s8 =	simm.s32 @!p0 $0x1BF5;
	p2 =	por !p2, p0  }
0x20: {  	[sflag:s8] =	ssyncset.s32 @!p0 $0xFFFFF086;
	s6 =	sadd.s32 @!p0 s3, s7;
	s7 =	simm.s32 @!p0 $0x108  }
0x21: {  	s3 =	sadd.s32 s3, s9;
	s6 =	sadd.s32 @!p0 $0x88, s6;
	s7 =	simm.s32 @p2 $0x1082  }
0x22: {  	[simem:s7], [sflag:s8] =	dma.local @!p0 [hbm:s6], $0xF7A  }
0x23: {  	s9 =	sor.u32 $0xD0000000, s2;
	s6 =	simm.s32 $0x108;
	_ =	swait.ge @!p0 [sflag:s8], $0x0  }
0x24: {  	s3 =	sadd.s32 $0x88, s3;
	s6 =	simm.s32 @!p1 $0x1082;
	[sflag:s4] =	ssyncset.s32 $0xFFFFF086  }
0x25: {  	[simem:s6], [sflag:s4] =	dma.local [hbm:s3], $0xF7A  }
0x26: {  	[smem:$0x3F9D] =	sst s1;
	(tag) =	ssettag s2;
	_ =	strace s9  }
0x27: {  	s1 =	sld [smem:$0x3FAD]  }
0x28: {  	s2 =	sld [smem:$0x3FAE]  }
0x29: {  	s4 =	sld [smem:$0x3FB0]  }
0x2a: {  	p0 =	seq.s32 s5, $0x0;
	s5 =	sld [smem:$0x3FB1]  }
0x2b: {  	s6 =	sld [smem:$0x3FB2]  }
0x2c: {  	s7 =	sld [smem:$0x3FB3]  }
0x2d: {  	s3 =	simm.s32 $0x108;
	s8 =	sld [smem:$0x3FB4]  }
0x2e: {  	s3 =	simm.s32 @!p0 $0x1082;
	s9 =	sld [smem:$0x3FB5]  }
0x2f: {  	lr =	sadd.s32 s0, s3;
	s0 =	sld [smem:$0x3FAC]  }
0x30: {  	s3 =	sld [smem:$0x3FAF]  }
0x31: {  	[smem:$0x3FB8] =	sst s10  }
0x32: {  	s10 =	sld [smem:$0x3FB6];
	_ =	sdelay $0x3  }
0x33: {  	p0 =	seq.s32 s10, $0x1;
	s10 =	sld [smem:$0x3FB8];
	_ =	sdelay $0x3  }
0x34: {  	[smem:$0x3FB8] =	sst s10  }
0x35: {  	s10 =	sld [smem:$0x3FB7];
	_ =	sdelay $0x3  }
0x36: {  	p1 =	seq.s32 s10, $0x1;
	s10 =	sld [smem:$0x3FB8];
	_ =	sdelay $0x3  }
0x37: {  	[smem:$0x3FB8] =	sst s10  }
0x38: {  	s10 =	sld [smem:$0x3FB9]  }
0x39: {  	_ = 	snop;
	(pc) =	sbr.ind lr, $3  }
0x3a: {  	_ = 	snop  }
0x3b: {  	_ = 	snop  }
0x3c: {  	p2 =	seq.s32 s10, $0x1;
	s10 =	sld [smem:$0x3FB8]  }
0x3d: {  	_ =	shalt  }
0x3e: {  	_ =	shalt  }
0x3f: {  	_ =	shalt  }
0x40: {  	_ =	shalt  }
0x41: {  	_ =	shalt  }
0x42: {  	_ =	shalt  }
0x43: {  	_ =	shalt  }
0x44: {  	_ =	shalt  }
0x45: {  	_ =	shalt  }
0x46: {  	_ =	shalt  }
0x47: {  	_ =	shalt  }
0x48: {  	_ =	shalt  }
0x49: {  	_ =	shalt  }
0x4a: {  	_ =	shalt  }
0x4b: {  	_ =	shalt  }
0x4c: {  	_ =	shalt  }
0x4d: {  	_ =	shalt  }
0x4e: {  	_ =	shalt  }
0x4f: {  	_ =	shalt  }
0x50: {  	_ =	shalt  }
0x51: {  	_ =	shalt  }
0x52: {  	_ =	shalt  }
0x53: {  	_ =	shalt  }
0x54: {  	_ =	shalt  }
0x55: {  	_ =	shalt  }
0x56: {  	_ =	shalt  }
0x57: {  	_ =	shalt  }
0x58: {  	_ =	shalt  }
0x59: {  	_ =	shalt  }
0x5a: {  	_ =	shalt  }
0x5b: {  	_ =	shalt  }
0x5c: {  	_ =	shalt  }
0x5d: {  	_ =	shalt  }
0x5e: {  	_ =	shalt  }
0x5f: {  	_ =	shalt  }
0x60: {  	_ =	shalt  }
0x61: {  	_ =	shalt  }
0x62: {  	_ =	shalt  }
0x63: {  	_ =	shalt  }
0x64: {  	_ =	shalt  }
0x65: {  	_ =	shalt  }
0x66: {  	_ =	shalt  }
0x67: {  	_ =	shalt  }
0x68: {  	_ =	shalt  }
0x69: {  	_ =	shalt  }
0x6a: {  	_ =	shalt  }
0x6b: {  	_ =	shalt  }
0x6c: {  	_ =	shalt  }
0x6d: {  	_ =	shalt  }
0x6e: {  	_ =	shalt  }
0x6f: {  	_ =	shalt  }
0x70: {  	_ =	shalt  }
0x71: {  	_ =	shalt  }
0x72: {  	_ =	shalt  }
0x73: {  	_ =	shalt  }
0x74: {  	_ =	shalt  }
0x75: {  	_ =	shalt  }
0x76: {  	_ =	shalt  }
0x77: {  	_ =	shalt  }
0x78: {  	_ =	shalt  }
0x79: {  	_ =	shalt  }
0x7a: {  	_ =	shalt  }
0x7b: {  	_ =	shalt  }
0x7c: {  	_ =	shalt  }
0x7d: {  	_ =	shalt  }
0x7e: {  	_ =	shalt  }
0x7f: {  	_ =	shalt  }
0x80: {  	_ =	shalt  }
0x81: {  	_ =	shalt  }
0x82: {  	_ =	shalt  }
0x83: {  	_ =	shalt  }
0x84: {  	_ =	shalt  }
0x85: {  	_ =	shalt  }
0x86: {  	_ =	shalt  }
0x87: {  	_ =	shalt  }
.Lfunc_end0:
.L_simem_size_0:
called_computation_lowered:
.L_overlay_start_0:
0x88: {  	s0 =	sld [smem:$0x3FD9]  }
0x89: {  	s1 =	sld [smem:$0x3FFE];
	_ =	sdelay $0x3  }
0x8a: {  	s0 =	sadd.s32 s1, s0  }
0x8b: {  	[smem:$0x3FC4] =	sst s0  }
0x8c: {  	_ = 	snop  }
0x8d: {  	(tm) =	ssettm $0x1  }
0x8e: {  	s15 =	sld [smem:$0x3FFB];
	_ =	sdelay $0x3  }
0x8f: {  	_ =	strace s15  }
0x90: {  	s0 =	sld [smem:$0x3FFC];
	_ =	sdelay $0x3  }
0x91: {  	_ =	strace s0  }
0x92: {  	s0 =	sld [smem:$0x3FFD];
	_ =	sdelay $0x3  }
0x93: {  	_ =	strace s0  }
0x94: {  	_ =	strace $0x8FFFFFFF  }
0x95: {  	s16 =	sld [smem:$0x3FDB];
	_ =	sdelay $0x1  }
0x96: {  	s17 =	simm.s32 $_scs_section_size  }
0x97: {  	s2 =	simm.s32 $_size__tile_overlayer_lowered;
	s3 =	simm.s32 $_tile_overlayer_lowered  }
0x98: {  	s20 =	simm.s32 $0x1BFF;
	s19 =	sshll.u32 s3, $0x1;
	s0 =	sadd.s32 s17, s16  }
0x99: {  	s4 =	simm.s32 $0x0;
	s18 =	sshll.u32 s2, $0x1;
	s2 =	sadd.s32 s19, s0  }
0x9a: {  	[timem:s4], [sflag:s20] =	dma.local [hbm:s2], s18  }
0x9b: {  	_ =	swait.ge [sflag:s20], s18  }
0x9c: {  	s1 =	ssub.s32 $0x0, s18;
	[sflag:s20] =	ssyncset.done $0x0  }
0x9d: {  	[sflag:s20] =	ssyncadd.s32 s1;
	_ =	sdelay $0x1  }
0x9e: {  	s21 =	simm.s32 $0x1B8B  }
0x9f: {  	_ =	swait.ge [sflag:s21], $0x1  }
0xa0: {  	[sflag:s21] =	ssyncset.done $0x0  }
0xa1: {  	s23 =	simm.s32 $0x1B8E;
	s22 =	sld [smem:$0x3FFE];
	[sflag:s21] =	ssyncadd.s32 $0xFFFFFFFF  }
0xa2: {  	s24 =	simm.s32 $execute0_lowered;
	[smem:$0x3FD2] =	sst s23  }
0xa3: {  	s2 =	sshll.u32 s24, $0x1;
	_ =	strace $0x8000004F;
	[dreg:$0x1] =	wrdreg $0xFFFFFFFF  }
0xa4: {  	s25 =	simm.s32 $_size_execute0_lowered;
	s0 =	sadd.s32 s0, s2;
	[dreg:$0x0] =	wrdreg $0x0  }
0xa5: {  	s2 =	sshll.u32 s25, $0x1;
	[dreg:$0x2] =	wrdreg s0  }
0xa6: {  	[dreg:$0x3] =	wrdreg s2  }
0xa7: {  	[dreg:$0x4] =	wrdreg $0xC0  }
0xa8: {  	_ =	task [dreg:s4], $0x5FFFF  }
0xa9: {  	[dreg:$0x1] =	wrdreg $0xFFFFFFFF  }
0xaa: {  	[dreg:$0x0] =	wrdreg $0x60  }
0xab: {  	[dreg:$0x2] =	wrdreg s22  }
0xac: {  	[dreg:$0x3] =	wrdreg $0x9  }
0xad: {  	_ =	task.clear_ibuf [dreg:s4], $0x4FFFF;
	_ =	strace $0x9000004F  }
0xae: {  	s26 =	simm.s32 $0x9;
	_ =	strace $0x80000051  }
0xaf: {  	_ =	swait.ge [sflag:s26], $0x1  }
0xb0: {  	[sflag:s26] =	ssyncadd.s32 $0xFFFFFFFF  }
0xb1: {  	_ =	strace $0x90000051  }
0xb2: {  	_ =	sfence  }
0xb3: {  	s28 =	sld [smem:$0x0];
	_ =	sdelay $0x1  }
0xb4: {  	s29 =	srdreg.scid  }
0xb5: {  	s30 =	sshll.u32 s29, $0xD;
	s31 =	sshrl.u32 s29, $0x2  }
0xb6: {  	s1 =	sand.u32 $0x1, s29;
	s2 =	sand.u32 $0x4000, s30;
	s0 =	sadd.s32 s31, s28  }
0xb7: {  	s1 =	sor.u32 s2, s1;
	s0 =	sshll.u32 s0, $0x11  }
0xb8: {  	s0 =	sor.u32 s0, s1  }
0xb9: {  	s0 =	sadd.s32 $0x8F2B, s0  }
0xba: {  	[sflag:s0] =	ssyncadd.remote.s32 $0x1  }
0xbb: {  	_ =	sfence.sel $0xFFFF  }
0xbc: {  	[dreg:$0x0] =	wrdreg $0xFFFFFFFF;
	(pc) =	sbr.abs _section_cstart, $3  }
0xbd: {  	[dreg:$0x1] =	wrdreg $0xFFFFFFFF  }
0xbe: {  	_ =	task.clear_ibuf [dreg:s4], $0x2FFFF;
	_ =	strace $0x9FFFFFFF  }
0xbf: {  	(tm) =	ssettm $0x7FFFFFFF  }
tec
execute0_lowered:
.L_overlay_start_1:
0x0: {  	(tag) =	ssettag $0x1  }
0x1: {  	s0 =	rddreg [dreg:$0x0]  }
0x2: {  	s6 =	stileid.u32;
	_ =	strace $0x80000050;
	s2 =	simm.s32 $0x1  }
0x3: {  	v1 =	vimm.s32 $0xFFFFFFFF;
	s1 =	smin.u32 s6, $0xC;
	[sflag:s2] =	ssyncpa.u1 $0x0  }
0x4: {  	s1 =	sadd.s32 s6, s1;
	[tilespmem:$0x10] =	vst v1  }
0x5: {  	v0 =	vimm.f32 $0.0e+00;
	p0 =	slt.u32 s6, $0xC;
	[tilespmem:$0x20] =	vst v1;
	s3 =	smul.u32 $0x2B0, s1;
	s1 =	simm.s32 $0x560  }
0x6: {  	[tilespmem:$0x30] =	vst v0;
	s1 =	simm.s32 @!p0 $0x2B0  }
0x7: {  	[tilespmem:$0x40] =	vst v0;
	s1 =	sadd.s32 s1, s3  }
0x8: {  	[tilespmem:$0x50] =	vst v0;
	s4 =	smin.u32 s1, $0x4B40  }
0x9: {  	s7 =	simm.s32 $0x2;
	[tilespmem:$0x60] =	vst v1;
	s9 =	ssub.s32 s4, s3  }
0xa: {  	s8 =	simm.s32 $0x8;
	s31 =	simm.s32 $0x9;
	[tilespmem:$0x70] =	vst v1;
	p0 =	sgt.s32 s9, $0x0  }
0xb: {  	s16 =	simm.s32 $0x0;
	s17 =	simm.s32 $0xF0;
	[tilespmem:$0x80] =	vst v1;
	s9 =	simm.s32 @!p0 $0x0  }
0xc: {  	s18 =	simm.s32 $0xFFFFFFFF;
	s19 =	simm.s32 $0xFFFFFBA0;
	v1 =	vimm.s32 $0x0;
	[tilespmem:$0xB0] =	vst v0;
	s5 =	smul.u32 $0xBE83, s9  }
0xd: {  	s20 =	simm.s32 $0xFFFFFFFE;
	s21 =	simm.s32 $0xF;
	s25 =	simm.s32 $0x0;
	[tilespmem:$0x90] =	vst v1  }
0xe: {  	[tilespmem:$0xA0] =	vst v1;
	[sflag:s7] =	ssyncpa.u1 $0x0;
	s7 =	simm.s32 $0x7;
	s10 =	sshrl.u32 s5, $0x19  }
0xf: {  	s24 =	simm.s32 $0x0;
	[sflag:s7] =	ssyncpa.u1 $0x0;
	s11 =	smul.u32 $0x2B0, s10  }
0x10: {  	s14 =	sshllo.u32 s6, $0x1;
	[sflag:s8] =	ssyncpa.u1 $0x0;
	s23 =	smov.u32 s3  }
.Ltmp0:
0x11: {  	s1 =	sadd.s32 $0x62A00, s0;
	p0 =	sne.s32 s9, s11;
	(pc) =	sbr.rel .LBB2_1-.Ltmp0, $4  }
0x12: {  	s5 =	sadd.s32 $0x62C00, s0;
	s0 =	sadd.s32 $0x63600, s0;
	s2 =	simm.s32 @!p0 $0x0  }
0x13: {  	[sflag:s31] =	ssyncpa.u1 $0x0;
	[dreg:$0x2] =	wrdreg s0;
	s9 =	sadd.s32 s10, s2  }
0x14: {  	vm0 =	vmmov $0xffff;
	v2 =	vlaneseq.u32;
	p0 =	por $0x0, $0x0;
	s10 =	sshll.u32 s6, $0x1;
	s11 =	sadd.s32 $0x1, s9  }
0x15: {  	vm1 =	vmxor vm1, vm1;
	vm2 =	vmmov $0x1;
	vm3 =	vcmask $0x3F3C;
	s12 =	sadd.s32 $0x2, s9;
	s13 =	sor.u32 $0x81, s10;
	s15 =	sor.u32 $0x80, s10  }
.LBB2_9:
0x16: {  	p1 =	slt.u32 s24, $0x3  }
0x17: {  	s0 =	simm.s32 @!p1 $0x2  }
0x18: {  	_ =	swait.ge @!p1 [sflag:s0], $0x2B0  }
0x19: {  	[sflag:s0] =	ssyncset.done @!p1 $0x0  }
0x1a: {  	[sflag:s0] =	ssyncadd.s32 @!p1 $0xFFFFFD50;
	s0 =	simm.s32 @!p1 $0x9  }
0x1b: {  	_ =	swait.ge @!p1 [sflag:s0], $0x10  }
0x1c: {  	[sflag:s0] =	ssyncset.done @!p1 $0x0  }
0x1d: {  	[sflag:s0] =	ssyncadd.s32 @!p1 $0xFFFFFFF0;
	p1 =	sne.s32 s24, s12  }
.Ltmp1:
0x1e: {  	s2 =	sadd.s32 $0x2B0, s23;
	(pc) =	sbr.rel @!p1 .LBB2_10-.Ltmp1, $4  }
0x1f: {  	s6 =	smov.u32 s3;
	s31 =	sadd.s32 $0x1, s24;
	s17 =	sadd.s32 $0x2B0, s17  }
0x20: {  	s18 =	sadd.s32 $0x1, s18;
	s25 =	smov.u32 s23;
	p2 =	slt.s32 s2, s4  }
0x21: {  	p0 =	por !p0, !p0;
	s19 =	sadd.s32 $0x2B0, s19;
	s6 =	smov.u32 @p2 s2  }
0x22: {  	s20 =	sadd.s32 $0x1, s20;
	s23 =	smov.u32 s6;
	s24 =	smov.u32 s31  }
.LBB2_1:
0x23: {  	p1 =	sge.u32 s24, s9  }
0x24: {  	s0 =	smulhi.u32 @!p1 $0xAAAAAAAB, s24;
	_ =	sdelay $0x1  }
0x25: {  	s0 =	sshrl.u32 @!p1 s0, $0x1  }
0x26: {  	s0 =	smul.u32 @!p1 $0x3, s0;
	_ =	sdelay $0x1  }
0x27: {  	s0 =	ssub.s32 @!p1 s24, s0  }
0x28: {  	s0 =	smul.u32 @!p1 $0xAC0, s0;
	_ =	sdelay $0x1  }
0x29: {  	s2 =	sshrl.u32 @!p1 s23, $0x3;
	s0 =	sshrl.u32 @!p1 s0, $0x2  }
0x2a: {  	s22 =	sand.u32 @!p1 $0x7, s23;
	s2 =	sadd.s32 @!p1 s5, s2;
	s0 =	sadd.s32 @!p1 $0x100, s0  }
0x2b: {  	[tilespmem:s0], [sflag:$0x7] =	stream.linear.gather @!p1 [hbm4b:s2+s22], $0x2B0, $0x38;
	[tilespmem:$0x1950] =	vst v63  }
0x2c: {  	s0 =	sadd.s32 $0xFFFFFFFF, s24  }
0x2d: {  	p1 =	sge.u32 s0, s9  }
.Ltmp2:
0x2e: {  	_ = 	snop;
	(pc) =	sbr.rel @p1 .LBB2_5-.Ltmp2, $1  }
0x2f: {  	_ =	sdelay $0x3  }
0x30: {  	s2 =	smulhi.u32 $0xAAAAAAAB, s0;
	_ =	sdelay $0x1  }
0x31: {  	s2 =	sshrl.u32 s2, $0x1  }
0x32: {  	s2 =	smul.u32 $0x3, s2;
	_ =	sdelay $0x1  }
0x33: {  	s2 =	ssub.s32 s0, s2  }
0x34: {  	s2 =	smul.u32 $0xAC0, s2  }
0x35: {  	_ =	swait.ge [sflag:s7], $0x2B0  }
0x36: {  	[sflag:s7] =	ssyncset.done $0x0;
	s2 =	sshrl.u32 s2, $0x2  }
0x37: {  	[sflag:s7] =	ssyncadd.s32 $0xFFFFFD50;
	(ifvalue) =	ssetifvalue $0xFFFFFFFF;
	v3 =	vld.msk [tilespmem:s2+$0x100 ss:$0x1], $0xffff;
	_ =	sdelay $0x2  }
0x38: {  	s30 =	smulhi.u32 $0xAAAAAAAB, s18;
	p1 =	sne.s32 s24, $0x1  }
0x39: {  	v4 =	vimm.s32 @!p1 $0x0  }
0x3a: {  	s2 =	sshrl.u32 s30, $0x1;
	v4 =	vperm.xlane @!p1 v3, v4  }
0x3b: {  	s22 =	sshll.u32 s24, $0x4;
	s2 =	smul.u32 $0xFFFFDFC0, s2;
	vm4 =	vlt.u32 v3, $0x800  }
0x3c: {  	s22 =	sand.u32 $0x10, s22;
	v3 =	vnsel vm4, $0xFFFFFFFE, v3;
	vm4 =	vlt.u32 @!p1 v4, $0x800  }
0x3d: {  	s2 =	sshra.s32 s2, $0x2;
	[tilespmem:s22+$0x60] =	vst v3;
	v3 =	vnsel @!p1 vm4, $0xFFFFFFFE, v4  }
0x3e: {  	s28 =	sadd.s32 s2, s17;
	[tilespmem:$0x80] =	vst @!p1 v3  }
0x3f: {  	v3 =	vld.msk [tilespmem:s28+$0x0 ss:$0x1], $0xffff;
	_ =	sdelay $0x4  }
0x40: {  	(xrf1) =	vunique.msk.u32 $0xffff, v3;
	_ =	sdelay $0xd  }
0x41: {  	v4 =	vimm.s32 $0xFFFFFFFF;
	v5, _, _ =	vpop (xrf1)  }
0x42: {  	vm5 =	vne.s32 v3, v4;
	vm4 =	veq.s32 v5, v2  }
0x43: {  	vm6 =	vlt.u32 v3, $0x800;
	vm4 =	vmand vm5, vm4  }
0x44: {  	vm4 =	vmand vm6, vm4  }
0x45: {  	v4 =	vnsel vm4, $0xFFFFFFFF, v3  }
0x46: {  	s31 =	sand.u32 $0x1, s0  }
0x47: {  	s0 =	simm.s32 $0x2B0;
	p1 =	seq.s32 s31, $0x1  }
0x48: {  	s0 =	simm.s32 @!p1 $0x0  }
0x49: {  	s26 =	sadd.s32 $0xBB0, s0;
	(ifvalue) =	ssetifvalue $0xFFFFFFFF  }
0x4a: {  	v3 =	vperm.xlane v3, v1;
	[tilespmem:s26], [sflag:$0x8] =	stream.indirect_vreg.gather [hbm4b:s1+s16], $0x1, v4, vm0, $0x4038;
	v4 =	vnsel vm6, $0xFFFFFFFE, v4;
	[tilespmem:$0x1950] =	vst v63  }
0x4b: {  	s2 =	simm.s32 $0x0;
	s22 =	sadd.s32 $0xFFFFFFF0, s28;
	[tilespmem:s28+$0x0] =	vst v4  }
.LBB2_3:
0x4c: {  	v4 =	vld.msk [tilespmem:s22+$0x0 ss:$0x1], $0xffff;
	s2 =	sadd.s32 $0x10, s2;
	v5 =	vmov v3;
	s28 =	smov.u32 s22  }
0x4d: {  	p1 =	slt.u32 s2, $0x2A0;
	_ =	sdelay $0x4  }
0x4e: {  	v3 =	vperm.xlane v4, v1;
	(xrf1) =	vunique.msk.u32 $0xffff, v4;
	_ =	sdelay $0xd  }
0x4f: {  	v6, _, _ =	vpop (xrf1)  }
0x50: {  	vm5 =	vne.s32 v4, v5;
	vm4 =	veq.s32 v6, v2  }
0x51: {  	vm6 =	vlt.u32 v4, $0x800;
	vm4 =	vmand vm5, vm4  }
0x52: {  	vm4 =	vmand vm6, vm4  }
0x53: {  	v4 =	vnsel vm4, $0xFFFFFFFF, v4  }
.Ltmp3:
0x54: {  	v5 =	vnsel vm6, $0xFFFFFFFE, v4;
	(pc) =	sbr.rel @p1 .LBB2_3-.Ltmp3, $3  }
0x55: {  	_ =	sdelay $0x1  }
0x56: {  	s22 =	sadd.s32 $0xFFFFFFF0, s22;
	s26 =	sadd.s32 $0xFFFFFFF0, s26;
	(ifvalue) =	ssetifvalue $0xFFFFFFFF  }
0x57: {  	[tilespmem:s26], [sflag:$0x8] =	stream.indirect_vreg.gather [hbm4b:s1+s16], $0x1, v4, vm0, $0x4038;
	[tilespmem:s28+$0x0] =	vst v5  }
0x58: {  	s2 =	sshrl.u32 s25, $0x3;
	s6 =	rddreg [dreg:$0x2]  }
0x59: {  	s0 =	sadd.s32 $0xE70, s0;
	s2 =	sadd.s32 s6, s2  }
0x5a: {  	[tilespmem:s0], [sflag:$0x8] =	stream.linear.gather [hbm:s2], $0x2B0, $0x38;
	[tilespmem:$0x1950] =	vst v63  }
.LBB2_5:
0x5b: {  	p1 =	slt.u32 s24, $0x2  }
0x5c: {  	p2 =	sge.u32 @!p1 s24, s12  }
0x5d: {  	p1 =	por p1, p2  }
.Ltmp4:
0x5e: {  	_ = 	snop;
	(pc) =	sbr.rel @p1 .LBB2_9-.Ltmp4, $1  }
0x5f: {  	_ =	sdelay $0x3  }
0x60: {  	s0 =	sadd.s32 $0xFFFFFFFE, s24  }
0x61: {  	s2 =	smulhi.u32 $0xAAAAAAAB, s0;
	_ =	sdelay $0x1  }
0x62: {  	s2 =	sshrl.u32 s2, $0x1  }
0x63: {  	s2 =	smul.u32 $0x3, s2;
	_ =	sdelay $0x1  }
0x64: {  	s0 =	ssub.s32 s0, s2  }
0x65: {  	_ =	swait.ge [sflag:s8], $0x560;
	s0 =	smul.u32 $0x2B0, s0  }
0x66: {  	p1 =	sne.s32 s24, s11;
	[sflag:s8] =	ssyncset.done $0x0  }
0x67: {  	[sflag:s8] =	ssyncadd.s32 $0xFFFFFAA0;
	s2 =	sadd.s32 @!p1 $0x3AF, s0  }
0x68: {  	[spmem:s13] =	stream.linear.scatter @!p1 [tilespmem:s2], [sflag:$0x1], $0x1, $0x38;
	[tilespmem:$0x1950] =	vst v63  }
0x69: {  	s2 =	simm.s32 @!p1 $0x1  }
0x6a: {  	_ =	swait.ge @!p1 [sflag:s2], $0x1  }
0x6b: {  	s22 =	sshll.u32 s24, $0x4;
	[sflag:s2] =	ssyncset.done @!p1 $0x0  }
0x6c: {  	s25 =	sand.u32 $0x10, s22;
	[sflag:s2] =	ssyncadd.s32 @!p1 $0xFFFFFFFF  }
0x6d: {  	s2 =	sxor.u32 $0x10, s25;
	v4 =	vld [tilespmem:s25+$0x10]  }
0x6e: {  	v5 =	vld [tilespmem:s2+$0x60]  }
0x6f: {  	v3 =	vld [tilespmem:$0x80];
	_ =	sdelay $0x2  }
0x70: {  	(v2sf) =	vpush v4, $0x0  }
0x71: {  	(v2sf) =	vpush v5, $0x0  }
0x72: {  	(v2sf) =	vpush v3, $0x0;
	_ =	sdelay $0xc  }
0x73: {  	s6 =	spop (v2sf)  }
0x74: {  	s28 =	spop (v2sf)  }
0x75: {  	s26 =	spop (v2sf)  }
0x76: {  	p2 =	seq.s32 s6, s28;
	p3 =	seq.s32 s26, s6  }
0x77: {  	p3 =	por p2, p3  }
0x78: {  	s6 =	sand.u32 $0x1, s24;
	v4 =	vpsel p3, $0xFFFFFFFF, v4  }
0x79: {  	s28 =	smul.u32 $0x2B0, s6;
	[tilespmem:s25+$0x10] =	vst.msk $0x1, v4  }
0x7a: {  	v4 =	vld [tilespmem:$0x30]  }
0x7b: {  	v5 =	vld [tilespmem:s28+$0xE70]  }
0x7c: {  	v6 =	vld [tilespmem:s25+$0x40];
	_ =	sdelay $0x3  }
0x7d: {  	vm4 =	vmmov vm1;
	v5 =	vadd.f32 v5, v4  }
0x7e: {  	vm5 =	vmmov vm2;
	vm4 =	vmmov @p2 vm2;
	v4 =	vadd.f32 v6, v4  }
0x7f: {  	s22 =	sshll.u32 s6, $0x4;
	vm5 =	vmmov @p3 vm1;
	[tilespmem:s28+$0xE70] =	vst.msk vm4, v5  }
0x80: {  	[tilespmem:s22+$0x1930] =	vst.msk vm5, v4  }
0x81: {  	v4 =	vld [tilespmem:s28+$0xBB0];
	_ =	sdelay $0x3  }
0x82: {  	v5 =	vimm.f32 $0.0e+00  }
0x83: {  	v4 =	vshift.insert v4, v5, s21  }
0x84: {  	s29 =	sor.u32 $0x40, s2  }
0x85: {  	[tilespmem:s29+$0x0] =	vst.msk $0x1, v4  }
0x86: {  	[tilespmem:s28+$0xBBF] =	vst.msk $0x1, v5  }
0x87: {  	v4 =	vld [tilespmem:s0+$0x3A0];
	_ =	sdelay $0x1  }
0x88: {  	s29 =	smulhi.u32 $0xAAAAAAAB, s20;
	s0 =	simm.s32 $0x1  }
0x89: {  	s0 =	simm.s32 @!p0 $0x0  }
0x8a: {  	s29 =	sshrl.u32 s29, $0x1;
	s0 =	smul.u32 $0xAC0, s0  }
0x8b: {  	s29 =	smul.u32 $0xFFFFDFC0, s29;
	v4 =	vshift.insert v4, v1, s21  }
0x8c: {  	s0 =	sshrl.u32 s0, $0x2  }
0x8d: {  	s29 =	sshra.s32 s29, $0x2;
	s30 =	sadd.s32 $0xE70, s0;
	[tilespmem:s2+$0x10] =	vst.msk $0x1, v4  }
0x8e: {  	s6 =	sadd.s32 s29, s19;
	v6 =	vld [tilespmem:s30+$0x0]  }
0x8f: {  	v7 =	vld [tilespmem:s6+$0x0];
	_ =	sdelay $0x3  }
0x90: {  	v5 =	vadd.f32 v6, v5  }
0x91: {  	vm4 =	vne.s32 v7, $0xFFFFFFFF  }
0x92: {  	(xrf2) =	vadd.seg.scan.f32 vm4, v5;
	_ =	sdelay $0x3  }
0x93: {  	s31 =	sadd.s32 $0x910, s0;
	v5 =	vperm.xlane v4, v1  }
0x94: {  	v6 =	vld [tilespmem:s31+$0x0]  }
0x95: {  	vm5 =	veq.s32 v7, v3;
	vm6 =	veq.s32 v7, v5  }
0x96: {  	vm7 =	vgt.u32 v7, $0xFFFFFFFD;
	vm6 =	vmor vm6, vm5  }
0x97: {  	vm6 =	vmor vm6, vm7  }
0x98: {  	v9 =	vld [tilespmem:$0xA0];
	v7 =	vsel vm6, $0xFFFFFFFF, v7  }
0x99: {  	v10 =	vld [tilespmem:$0x90];
	v6 =	vsel vm5, $0x0, v6;
	v8, _, _ =	vpop (xrf2)  }
0x9a: {  	v6 =	vadd.f32 v8, v6  }
0x9b: {  	s0 =	sadd.s32 $0x13D0, s0  }
0x9c: {  	vm4 =	vmand vm4, vm3;
	[tilespmem:s0+$0x0] =	vst v6;
	(ifvalue) =	ssetifvalue $0xFFFFFFFF  }
0x9d: {  	vm6 =	veq.s32 v9, $0x1;
	[hbm4b:s1+s16] =	stream.indirect_vreg.scatter [tilespmem:s0], [sflag:$0x2], $0x1, v7, vm0, $0x4038;
	v7 =	vsel vm4, $0x0, v8;
	[tilespmem:$0x1950] =	vst v63  }
0x9e: {  	s29 =	sadd.s32 $0x1930, s22;
	s22 =	sadd.s32 $0x10, s6;
	s2 =	simm.s32 $0x0;
	vm4 =	vmor vm6, vm5;
	v6 =	vsel vm5, v8, v10;
	v7 =	vshift.insert v7, v0, s21  }
.LBB2_7:
0x9f: {  	v8 =	vld [tilespmem:s22+$0x0];
	s30 =	sadd.s32 $0x10, s30  }
0xa0: {  	s31 =	sadd.s32 $0x10, s31;
	v9 =	vld [tilespmem:s30+$0x0]  }
0xa1: {  	s2 =	sadd.s32 $0x10, s2;
	v10 =	vld [tilespmem:s31+$0x0]  }
0xa2: {  	p2 =	slt.u32 s2, $0x2A0;
	_ =	sdelay $0x2  }
0xa3: {  	v7 =	vadd.f32 v9, v7  }
0xa4: {  	vm5 =	vne.s32 v8, $0xFFFFFFFF  }
0xa5: {  	vm6 =	vmand vm5, vm3;
	(xrf2) =	vadd.seg.scan.f32 vm5, v7;
	_ =	sdelay $0x5  }
0xa6: {  	vm7 =	veq.s32 v8, v5;
	vm5 =	veq.s32 v8, v3  }
0xa7: {  	vm8 =	vgt.u32 v8, $0xFFFFFFFD;
	vm4 =	vmor vm4, vm5;
	vm7 =	vmor vm7, vm5  }
0xa8: {  	vm7 =	vmor vm7, vm8  }
0xa9: {  	v8 =	vsel vm7, $0xFFFFFFFF, v8  }
.Ltmp5:
0xaa: {  	v7 =	vsel vm5, $0x0, v10;
	v9, _, _ =	vpop (xrf2);
	(pc) =	sbr.rel @p2 .LBB2_7-.Ltmp5, $4  }
0xab: {  	v6 =	vsel vm5, v9, v6;
	v10 =	vadd.f32 v9, v7;
	v7 =	vsel vm6, $0x0, v9  }
0xac: {  	s0 =	sadd.s32 $0x10, s0;
	v7 =	vshift.insert v7, v0, s21  }
0xad: {  	s22 =	sadd.s32 $0x10, s22;
	[tilespmem:s0+$0x0] =	vst v10;
	(ifvalue) =	ssetifvalue $0xFFFFFFFF  }
0xae: {  	[hbm4b:s1+s16] =	stream.indirect_vreg.scatter [tilespmem:s0], [sflag:$0x2], $0x1, v8, vm0, $0x4038;
	[tilespmem:$0x1950] =	vst v63  }
0xaf: {  	v3 =	vld [tilespmem:s28+$0x1670];
	_ =	sdelay $0x4  }
0xb0: {  	v3 =	vshift.insert v3, v0, s21  }
0xb1: {  	s0 =	simm.s32 $0x30  }
0xb2: {  	[tilespmem:s0+$0x0] =	vst.msk $0x1, v3  }
0xb3: {  	v3 =	vsel vm4, $0x1, v1;
	[tilespmem:$0x90] =	vst v6  }
0xb4: {  	s0 =	sadd.s32 @!p1 $0x167F, s28;
	[tilespmem:$0xA0] =	vst v3  }
0xb5: {  	[spmem:s14] =	stream.linear.scatter @!p1 [tilespmem:s0], [sflag:$0x1], $0x1, $0x38;
	[tilespmem:$0x1950] =	vst v63  }
0xb6: {  	s0 =	simm.s32 @!p1 $0x1  }
0xb7: {  	v3 =	vmctz.xlane @!p1 vm4;
	_ =	swait.ge @!p1 [sflag:s0], $0x1  }
0xb8: {  	(v2sf) =	vpush @!p1 v4, $0x0  }
0xb9: {  	(v2sf) =	vpush @!p1 v3, $0x0;
	_ =	sdelay $0xd  }
0xba: {  	s2 =	spop @!p1 (v2sf)  }
0xbb: {  	s6 =	spop @!p1 (v2sf)  }
0xbc: {  	p2 =	sne.s32 @!p1 s26, s2;
	p3 =	slt.s32 @!p1 s6, $0xF  }
0xbd: {  	[sflag:s0] =	ssyncset.done @!p1 $0x0;
	p2 =	por p2, p1;
	p3 =	por !p3, p1  }
0xbe: {  	[sflag:s0] =	ssyncadd.s32 @!p1 $0xFFFFFFFF;
	v3 =	vimm.s32 @!p2 $0xFFFFFFFF;
	s6 =	simm.s32 @p3 $0xF  }
0xbf: {  	[tilespmem:$0x80] =	vst @!p2 v3;
	s2 =	sadd.s32 @!p1 $0x90, s6  }
0xc0: {  	[spmem:s10] =	stream.linear.scatter @!p1 [tilespmem:s2], [sflag:$0x1], $0x1, $0x38;
	[tilespmem:$0x1950] =	vst v63  }
0xc1: {  	_ =	swait.ge @!p1 [sflag:s0], $0x1  }
0xc2: {  	[sflag:s0] =	ssyncset.done @!p1 $0x0  }
0xc3: {  	s2 =	simm.s32 @!p1 $0x80;
	[sflag:s0] =	ssyncadd.s32 @!p1 $0xFFFFFFFF  }
0xc4: {  	[spmem:s15] =	stream.linear.scatter @!p1 [tilespmem:s2], [sflag:$0x1], $0x1, $0x38;
	[tilespmem:$0x1950] =	vst v63  }
0xc5: {  	_ =	swait.ge @!p1 [sflag:s0], $0x1  }
0xc6: {  	[sflag:s0] =	ssyncset.done @!p1 $0x0  }
0xc7: {  	[sflag:s0] =	ssyncadd.s32 @!p1 $0xFFFFFFFF;
	(ifvalue) =	ssetifvalue $0xFFFFFFFF;
	v3 =	vld [tilespmem:s25+$0x10];
	_ =	sdelay $0x3  }
.Ltmp6:
0xc8: {  	_ = 	snop;
	(pc) =	sbr.rel .LBB2_9-.Ltmp6, $3  }
0xc9: {  	_ =	sdelay $0x1  }
0xca: {  	(ifvalue) =	ssetifvalue $0xFFFFFFFF  }
0xcb: {  	[hbm4b:s1+s16] =	stream.indirect_vreg.scatter [tilespmem:s29], [sflag:$0x9], $0x1, v3, vm0, $0x4038;
	[tilespmem:$0x1950] =	vst v63  }
.LBB2_10:
0xcc: {  	_ =	sfence.sel $0x180000  }
0xcd: {  	s0 =	simm.s32 $0x7;
	[bflag:$0x0] =	sbarrier.arrive $0xFFFF  }
0xce: {  	s26 =	simm.s32 $0x8;
	[sflag:s0] =	ssyncpa.u1 $0x1  }
0xcf: {  	s28 =	simm.s32 $0x9;
	[sflag:s26] =	ssyncpa.u1 $0x1  }
0xd0: {  	[sflag:s28] =	ssyncpa.u1 $0x1  }
0xd1: {  	_ =	sfence.stream.spmem  }
0xd2: {  	s29 =	simm.s32 $0x3;
	[bflag:$0x0] =	sbarrier.arrive $0xFFFF  }
0xd3: {  	s30 =	simm.s32 $0x4;
	[sflag:s29] =	ssyncpa.u1 $0x1  }
0xd4: {  	s31 =	simm.s32 $0x3C;
	s2 =	stileid.u32;
	[sflag:s30] =	ssyncpa.u1 $0x1  }
0xd5: {  	p0 =	sne.s32 s2, $0x0;
	[sflag:s31] =	ssyncpa.u1 $0x1  }
0xd6: {  	s0 =	simm.s32 @p0 $0x1;
	_ =	sfence @p0  }
0xd7: {  	[sflag:s0] =	ssyncpa.u1 @p0 $0x1;
	s0 =	simm.s32 @p0 $0x2  }
0xd8: {  	[sflag:s0] =	ssyncpa.u1 @p0 $0x1  }
0xd9: {  	_ =	strace @p0 $0x90000050  }
0xda: {  	[bflag:$0x2] =	sbarrier.arrive @p0 $0xFFFF  }
0xdb: {  	_ =	shalt @p0  }
.LBB2_11:
0xdc: {  	_ =	sfence.stream.spmem;
	s0 =	simm.s32 $0x5  }
0xdd: {  	s2 =	simm.s32 $0x80;
	s3 =	simm.s32 $0xC0;
	[sflag:s0] =	ssyncpa.u1 $0x0  }
0xde: {  	[tilespmem:s3], [sflag:$0x5] =	stream.linear.gather [spmem:s2], $0x20, $0x38;
	[tilespmem:$0x1950] =	vst v63  }
0xdf: {  	s2 =	simm.s32 $0x0;
	s3 =	simm.s32 $0xE0  }
0xe0: {  	[tilespmem:s3], [sflag:$0x5] =	stream.linear.gather [spmem:s2], $0x20, $0x38;
	[tilespmem:$0x1950] =	vst v63  }
.Ltmp7:
0xe1: {  	_ = 	snop;
	(pc) =	sbr.rel .LBB2_12-.Ltmp7, $4  }
0xe2: {  	_ =	swait.ge [sflag:s0], $0x40  }
0xe3: {  	[sflag:s0] =	ssyncset.done $0x0  }
0xe4: {  	s31 =	simm.s32 $0x6;
	[sflag:s0] =	ssyncadd.s32 $0xFFFFFFC0  }
0xe5: {  	s4 =	simm.s32 $0x0;
	[sflag:s31] =	ssyncpa.u1 $0x0  }
.LBB2_17:
0xe6: {  	p0 =	sgt.u32 s5, $0x7FF  }
0xe7: {  	s0 =	sshrl.u32 @!p0 s5, $0x3  }
0xe8: {  	s5 =	sand.u32 @!p0 $0x7, s5;
	s6 =	simm.s32 @!p0 $0xB0;
	s0 =	sadd.s32 @!p0 s1, s0  }
0xe9: {  	[tilespmem:s6], [sflag:$0x6] =	stream.linear.gather @!p0 [hbm4b:s0+s5], $0x1, $0x38;
	[tilespmem:$0x1950] =	vst v63  }
0xea: {  	s0 =	simm.s32 @!p0 $0x6  }
0xeb: {  	_ =	swait.ge @!p0 [sflag:s0], $0x1  }
0xec: {  	[sflag:s0] =	ssyncset.done @!p0 $0x0  }
0xed: {  	[sflag:s0] =	ssyncadd.s32 @!p0 $0xFFFFFFFF  }
0xee: {  	v2 =	vmov @!p0 s4;
	v1 =	vld.msk @!p0 [tilespmem:$0xB0], $0x1;
	_ =	sdelay $0x3  }
0xef: {  	s0 =	simm.s32 @!p0 $0xE0  }
0xf0: {  	[tilespmem:v2+s0+$0x0], v1 =	vst.idx.ret.add.f32.msk @!p0 $0x1, v1  }
0xf1: {  	[tilespmem:s2+$0xC0] =	vst.msk $0x1, v0  }
0xf2: {  	v0 =	vld.msk [tilespmem:s4+$0xE0], $0x1;
	_ =	sdelay $0x4  }
0xf3: {  	[tilespmem:s2+$0xE0] =	vst.msk $0x1, v0;
	s2 =	sadd.s32 $0x1, s2  }
.LBB2_19:
0xf4: {  	s4 =	sadd.s32 $0x1, s4  }
0xf5: {  	p0 =	sne.s32 s4, $0x20  }
.Ltmp8:
0xf6: {  	_ = 	snop;
	(pc) =	sbr.rel @!p0 .LBB2_20-.Ltmp8, $1  }
0xf7: {  	_ =	sdelay $0x3  }
.LBB2_12:
0xf8: {  	v0 =	vld.msk [tilespmem:s4+$0xC0], $0x1;
	_ =	sdelay $0x4  }
0xf9: {  	(v2sf) =	vpush v0, $0x0;
	_ =	sdelay $0xe  }
0xfa: {  	s5 =	spop (v2sf)  }
0xfb: {  	p0 =	seq.s32 s5, $0xFFFFFFFF  }
.Ltmp9:
0xfc: {  	_ = 	snop;
	(pc) =	sbr.rel @p0 .LBB2_19-.Ltmp9, $1  }
0xfd: {  	_ =	sdelay $0x3  }
0xfe: {  	p0 =	slt.s32 s2, $0x1  }
.Ltmp10:
0xff: {  	_ = 	snop;
	(pc) =	sbr.rel @p0 .LBB2_17-.Ltmp10, $1  }
0x100: {  	_ =	sdelay $0x3  }
0x101: {  	s0 =	simm.s32 $0xC0;
	p0 =	por $0x0, $0x0  }
0x102: {  	v1 =	vld.msk @!p0 [tilespmem:s0+$0x0], $0x1;
	_ =	sdelay $0x4  }
0x103: {  	(v2sf) =	vpush @!p0 v1, $0x0;
	_ =	sdelay $0xd  }
0x104: {  	p2 =	sne.s32 s2, $0x1  }
.Ltmp11:
0x105: {  	s6 =	spop @!p0 (v2sf);
	(pc) =	sbr.rel @!p2 .LBB2_16-.Ltmp11, $4  }
0x106: {  	p1 =	seq.s32 @!p0 s5, s6  }
0x107: {  	s6 =	simm.s32 $0x0;
	p1 =	por !p1, p0  }
0x108: {  	s8 =	simm.s32 $0xFFFFFFFF;
	s6 =	simm.s32 @p1 $0xFFFFFFFF  }
0x109: {  	s7 =	simm.s32 $0x1;
	s6 =	smov.u32 @p0 s8  }
.LBB2_15:
0x10a: {  	s8 =	smov.u32 s6;
	p0 =	sne.s32 s6, $0xFFFFFFFF  }
0x10b: {  	s0 =	sadd.s32 $0x1, s0;
	s6 =	smov.u32 s7;
	s7 =	sadd.s32 $0x1, s7  }
0x10c: {  	p1 =	sne.s32 s2, s7;
	v1 =	vld.msk @!p0 [tilespmem:s0+$0x0], $0x1;
	_ =	sdelay $0x4  }
0x10d: {  	(v2sf) =	vpush @!p0 v1, $0x0;
	_ =	sdelay $0xe  }
.Ltmp12:
0x10e: {  	s9 =	spop @!p0 (v2sf);
	(pc) =	sbr.rel @p1 .LBB2_15-.Ltmp12, $4  }
0x10f: {  	p2 =	seq.s32 @!p0 s5, s9  }
0x110: {  	p2 =	por !p2, p0  }
0x111: {  	s6 =	simm.s32 @p2 $0xFFFFFFFF  }
0x112: {  	s6 =	smov.u32 @p0 s8  }
.LBB2_16:
0x113: {  	p0 =	sne.s32 s6, $0xFFFFFFFF  }
.Ltmp13:
0x114: {  	_ = 	snop;
	(pc) =	sbr.rel @!p0 .LBB2_17-.Ltmp13, $1  }
0x115: {  	_ =	sdelay $0x3  }
0x116: {  	v0 =	vld.msk [tilespmem:s4+$0xE0], $0x1;
	v1 =	vmov s6  }
.Ltmp14:
0x117: {  	_ = 	snop;
	(pc) =	sbr.rel .LBB2_19-.Ltmp14, $2  }
0x118: {  	_ =	sdelay $0x2  }
0x119: {  	[tilespmem:v1+s3+$0x0], v0 =	vst.idx.ret.add.f32.msk $0x1, v0  }
.LBB2_20:
0x11a: {  	p0 =	slt.s32 s2, $0x1  }
.Ltmp15:
0x11b: {  	_ = 	snop;
	(pc) =	sbr.rel @p0 .LBB2_24-.Ltmp15, $3  }
0x11c: {  	_ =	sdelay $0x1  }
0x11d: {  	s0 =	simm.s32 $0x6  }
0x11e: {  	s3 =	simm.s32 $0x0;
	[sflag:s0] =	ssyncpa.u1 $0x1  }
0x11f: {  	s0 =	simm.s32 $0xC0  }
0x120: {  	v0 =	vld.msk [tilespmem:s0+$0x0], $0x1;
	_ =	sdelay $0x4  }
0x121: {  	(v2sf) =	vpush v0, $0x0;
	_ =	sdelay $0xe  }
0x122: {  	s2 =	sadd.s32 $0xFFFFFFFF, s2;
	s4 =	spop (v2sf)  }
0x123: {  	p1 =	sne.s32 s2, $0x0;
	p0 =	sgt.u32 s4, $0x7FF  }
.Ltmp16:
0x124: {  	s5 =	sshrl.u32 @!p0 s4, $0x3;
	(pc) =	sbr.rel @!p1 .LBB2_23-.Ltmp16, $4  }
0x125: {  	s0 =	simm.s32 $0xE0;
	s4 =	sand.u32 @!p0 $0x7, s4;
	s5 =	sadd.s32 @!p0 s1, s5  }
0x126: {  	[hbm4b:s5+s4] =	stream.linear.scatter @!p0 [tilespmem:s0], [sflag:$0x5], $0x1, $0x38;
	[tilespmem:$0x1950] =	vst v63  }
0x127: {  	s5 =	simm.s32 $0x0  }
0x128: {  	s4 =	simm.s32 $0xC1;
	s5 =	simm.s32 @!p0 $0x4  }
.LBB2_22:
0x129: {  	v0 =	vld.msk [tilespmem:s4+$0x0], $0x1;
	s2 =	sadd.s32 $0xFFFFFFFF, s2;
	s3 =	sadd.s32 s3, s5  }
0x12a: {  	p0 =	sne.s32 s2, $0x0;
	_ =	sdelay $0x3  }
0x12b: {  	(v2sf) =	vpush v0, $0x0;
	_ =	sdelay $0xe  }
.Ltmp17:
0x12c: {  	s6 =	spop (v2sf);
	(pc) =	sbr.rel @p0 .LBB2_22-.Ltmp17, $4  }
0x12d: {  	s5 =	simm.s32 $0x0;
	p1 =	sgt.u32 s6, $0x7FF  }
0x12e: {  	s0 =	sadd.s32 $0x1, s0;
	s5 =	simm.s32 @!p1 $0x4;
	s7 =	sshrl.u32 @!p1 s6, $0x3  }
0x12f: {  	s4 =	sadd.s32 $0x1, s4;
	s6 =	sand.u32 @!p1 $0x7, s6;
	s7 =	sadd.s32 @!p1 s1, s7  }
0x130: {  	[hbm4b:s7+s6] =	stream.linear.scatter @!p1 [tilespmem:s0], [sflag:$0x5], $0x1, $0x38;
	[tilespmem:$0x1950] =	vst v63  }
.LBB2_23:
0x131: {  	s0 =	sadd.s32 s3, s5  }
0x132: {  	s3 =	sshrl.u32 s0, $0x2  }
.LBB2_24:
0x133: {  	s0 =	simm.s32 $0x5  }
0x134: {  	_ =	swait.ge [sflag:s0], s3  }
0x135: {  	s1 =	ssub.s32 $0x0, s3;
	[sflag:s0] =	ssyncset.done $0x0  }
0x136: {  	[sflag:s0] =	ssyncadd.s32 s1  }
0x137: {  	[sflag:s0] =	ssyncpa.u1 $0x1  }
0x138: {  	s29 =	simm.s32 $0x1;
	_ =	sfence  }
0x139: {  	s30 =	simm.s32 $0x2;
	[sflag:s29] =	ssyncpa.u1 $0x1  }
0x13a: {  	[sflag:s30] =	ssyncpa.u1 $0x1  }
0x13b: {  	_ =	strace $0x90000050  }
0x13c: {  	[bflag:$0x2] =	sbarrier.arrive $0xFFFF  }
0x13d: {  	s31 =	rddreg [dreg:$0x1]  }
0x13e: {  	s0 =	sadd.s32 $0x100000, s31  }
0x13f: {  	[sflag:s0] =	ssyncadd.tile.s32 $0x1;
	_ =	shalt  }
.Lfunc_end2:
_tile_overlayer_lowered:
.L_overlay_start_2:
0x140: {  	(tag) =	ssettag $0x2  }
0x141: {  	s0 =	rddreg [dreg:$0x0];
	s2 =	stileid.u32  }
0x142: {  	s1 =	rddreg [dreg:$0x1];
	p0 =	sne.s32 s2, $0x0  }
0x143: {  	s3 =	rddreg [dreg:$0x2];
	[bflag:$0x3] =	sbarrier.arrive $0xFFFF;
	s2 =	simm.s32 @!p0 $0x1C01  }
0x144: {  	[timem:s3], [sflag:s2] =	dma.local @!p0 [hbm:s0], s1  }
0x145: {  	s0 =	simm.s32 @!p0 $0x1  }
0x146: {  	_ =	swait.ge @!p0 [sflag:s0], s1  }
0x147: {  	s1 =	ssub.s32 @!p0 $0x0, s1;
	[sflag:s0] =	ssyncset.done @!p0 $0x0  }
0x148: {  	[sflag:s0] =	ssyncadd.s32 @!p0 s1  }
0x149: {  	[bflag:$0x3] =	sbarrier.arrive $0xFFFF  }
0x14a: {  	_ =	shalt  }

</sc_bundles>
